<compile_context>
chip_gen: v7x
topology: tpu7x:2x2x1
jax: 0.10.2.dev20260603
libtpu: 0.0.44.dev20260713+nightly
codegen_flags: <defaults>
</compile_context>

<pallas_src>
import functools

import jax
import jax.numpy as jnp
from jax import lax
from jax.experimental import pallas as pl
from jax.experimental.pallas import tpu as pltpu
from jax.experimental.pallas import tpu_sc as plsc

_D = 128
_EOI = 99999
_NC = 2
_NS = 16
_NW = _NC * _NS
_C = 128
_CH = 50
_BPW = _C * _CH


def _embed_call(idx3, weight, eoi_embedding):
    B = _NW * _BPW
    mesh = plsc.VectorSubcoreMesh(core_axis_name="c", subcore_axis_name="s")

    @functools.partial(
        pl.kernel,
        mesh=mesh,
        out_type=jax.ShapeDtypeStruct((B, _D), jnp.float32),
        compiler_params=pltpu.CompilerParams(needs_layout_passes=False),
        scratch_types=[
            pltpu.VMEM((_CH, _C), jnp.int32),
            pltpu.VMEM((_D,), jnp.float32),
            pltpu.VMEM((4, _C, _D), jnp.float32),
            pltpu.SemaphoreType.DMA((4,)),
            pltpu.SemaphoreType.DMA((4,)),
        ],
    )
    def emb(idx_hbm, table_hbm, eoi_hbm, out_hbm,
            idx_v, eoi_v, ring, gsem, ssem):
        wid = lax.axis_index("s") * _NC + lax.axis_index("c")
        row_base = wid * _BPW

        pltpu.sync_copy(idx_hbm.at[wid], idx_v)
        pltpu.sync_copy(eoi_hbm, eoi_v)

        def start_gather(c):
            b = lax.rem(c, 4)
            pltpu.async_copy(
                table_hbm.at[idx_v.at[c]], ring.at[b], gsem.at[b])

        def wait_gather(c):
            b = lax.rem(c, 4)
            pltpu.make_async_copy(
                table_hbm.at[idx_v.at[c]], ring.at[b], gsem.at[b]).wait()

        def fixup(c):
            b = lax.rem(c, 4)
            m = idx_v[c, pl.ds(0, 16)] == _EOI
            for g in range(1, _C // 16):
                m = jnp.logical_or(m, idx_v[c, pl.ds(g * 16, 16)] == _EOI)
            dirty = plsc.all_reduce_population_count(m)[0] > 0

            @pl.when(dirty)
            def _():
                def grp(g, carry):
                    ivec = idx_v[c, pl.ds(g * 16, 16)]

                    @pl.when(
                        plsc.all_reduce_population_count(ivec == _EOI)[0] > 0)
                    def _():
                        for l in range(16):
                            @pl.when(ivec[l] == _EOI)
                            def _():
                                for j in range(_D // 16):
                                    ring[b, g * 16 + l, pl.ds(j * 16, 16)] = (
                                        eoi_v[pl.ds(j * 16, 16)])
                    return carry
                lax.fori_loop(0, _C // 16, grp, 0)

        def start_scatter(c):
            b = lax.rem(c, 4)
            pltpu.async_copy(ring.at[b],
                             out_hbm.at[pl.ds(row_base + c * _C, _C)],
                             ssem.at[b])

        def wait_scatter(c):
            b = lax.rem(c, 4)
            pltpu.make_async_copy(
                ring.at[b],
                out_hbm.at[pl.ds(row_base + c * _C, _C)], ssem.at[b]).wait()

        start_gather(0)
        start_gather(1)

        def body(c, carry):
            wait_gather(c)
            fixup(c)
            start_scatter(c)

            @pl.when(c >= 2)
            def _():
                wait_scatter(c - 2)

            @pl.when(c + 2 < _CH)
            def _():
                start_gather(c + 2)
            return carry

        lax.fori_loop(0, _CH, body, 0)

        wait_scatter(_CH - 2)
        wait_scatter(_CH - 1)

    return emb(idx3, weight, eoi_embedding)


def kernel(input_ids, weight, eoi_embedding):
    n_batch, n_tok = input_ids.shape
    ids = input_ids.T.reshape(-1).astype(jnp.int32)
    idx3 = ids.reshape(_NW, _CH, _C)
    out = _embed_call(idx3, weight.astype(jnp.float32),
                      eoi_embedding.astype(jnp.float32))
    return out.reshape(n_tok, n_batch, _D).transpose(1, 0, 2)

# --- scband reference (transcript-rebuilt; emitter-appended) ---
"""Pipeline reference for scband-t5-gemma2-text-scaled-word-embedding-87127706567161 (READ-ONLY COPY).

The authoritative reference and input builder live on the scoring server;
editing this copy changes nothing except your own understanding.
"""

import jax, jax.numpy as jnp
import numpy as np

NUM_EMBEDDINGS = 100000
EMBEDDING_DIM = 128
PADDING_IDX = 0
EMBED_SCALE = 1.0
EOI_TOKEN_INDEX = 99999


def setup_inputs(seed: int = 0) -> dict:
    key = jax.random.key(seed)
    k1, k2 = jax.random.split(key)
    input_ids = jax.random.randint(k1, (4096, 50), 0, NUM_EMBEDDINGS, dtype=jnp.int64 if jax.config.jax_enable_x64 else jnp.int32)
    weight = jax.random.normal(k2, (NUM_EMBEDDINGS, EMBEDDING_DIM), dtype=jnp.float32) * 0.02
    eoi_embedding = jnp.zeros((EMBEDDING_DIM,), dtype=jnp.float32)
    return {"input_ids": input_ids, "weight": weight, "eoi_embedding": eoi_embedding}


def reference(input_ids, weight, eoi_embedding):
    # F.embedding: gather rows of the table (padding_idx only affects grads)
    embeddings = jnp.take(weight, input_ids, axis=0)
    embeddings = embeddings * EMBED_SCALE
    # EOI token handling: replace embeddings at eoi positions with eoi_embedding
    eoi_mask = (input_ids == EOI_TOKEN_INDEX)
    embeddings = jnp.where(eoi_mask[..., None], eoi_embedding.astype(embeddings.dtype), embeddings)
    return embeddings

if __name__ == "__main__":
    import jax
    _d = setup_inputs()
    print(jax.jit(kernel)(*tuple(_d.values())))

</pallas_src>

<mosaic_0001>
#map = affine_map<(d0, d1) -> (0, 0, 0)>
#map1 = affine_map<(d0, d1) -> (0, 0)>
#map2 = affine_map<(d0, d1) -> (0)>
module attributes {stable_mosaic.version = 14 : i64} {
  func.func @emb(%arg0: i32, %arg1: i32, %arg2: memref<32x50x128xi32, #tpu.memory_space<hbm>>, %arg3: memref<100000x128xf32, #tpu.memory_space<hbm>>, %arg4: memref<128xf32, #tpu.memory_space<hbm>>, %arg5: memref<204800x128xf32, #tpu.memory_space<hbm>>, %arg6: memref<50x128xi32, #tpu.memory_space<vmem>>, %arg7: memref<128xf32, #tpu.memory_space<vmem>>, %arg8: memref<4x128x128xf32, #tpu.memory_space<vmem>>, %arg9: memref<4x!tpu.dma_semaphore, #tpu.memory_space<semaphore_mem>>, %arg10: memref<4x!tpu.dma_semaphore, #tpu.memory_space<semaphore_mem>>) attributes {dimension_semantics = [#tpu.dimension_semantics<core_parallel>, #tpu.dimension_semantics<subcore_parallel>], iteration_bounds = array<i64: 2, 16>, scalar_prefetch = 0 : i64, scratch_operands = 5 : i64, tpu.core_type = #tpu.core_type<sc_vector_subcore>, window_params = [{transform_indices = #map}, {transform_indices = #map1}, {transform_indices = #map2}, {transform_indices = #map1}]} {
    %mul3A = arith.constant 2 : i32
    %mul3A_0 = arith.muli %arg1, %mul3A : i32
    %add3A = arith.addi %mul3A_0, %arg0 : i32
    %mul3A_1 = arith.constant 6400 : i32
    %mul3A_2 = arith.muli %add3A, %mul3A_1 : i32
    "tpu.region"() ({
      %run_scoped3A = tpu.sem_alloc : memref<!tpu.dma_semaphore, #tpu.memory_space<semaphore_mem>>
      %dma_start3A_75 = arith.constant 0 : i32
      %dma_start3A_76 = arith.constant 0 : i32
      %dma_start3A_77 = tpu.memref_slice %arg2[%add3A, %dma_start3A_75, %dma_start3A_76] : memref<32x50x128xi32, #tpu.memory_space<hbm>> -> memref<1x50x128xi32, #tpu.memory_space<hbm>>
      %dma_start3A_78 = tpu.memref_squeeze %dma_start3A_77 : memref<1x50x128xi32, #tpu.memory_space<hbm>> -> memref<50x128xi32, #tpu.memory_space<hbm>>
      %dma_start3A_79 = arith.constant 0 : i32
      %dma_start3A_80 = arith.constant 0 : i32
      %dma_start3A_81 = tpu.memref_slice %arg2[%add3A, %dma_start3A_79, %dma_start3A_80] : memref<32x50x128xi32, #tpu.memory_space<hbm>> -> memref<1x50x128xi32, #tpu.memory_space<hbm>>
      %dma_start3A_82 = tpu.memref_squeeze %dma_start3A_81 : memref<1x50x128xi32, #tpu.memory_space<hbm>> -> memref<50x128xi32, #tpu.memory_space<hbm>>
      tpu.enqueue_dma source(%dma_start3A_82 : memref<50x128xi32, #tpu.memory_space<hbm>>) target(%arg6 : memref<50x128xi32, #tpu.memory_space<vmem>>) target_semaphore(%run_scoped3A : memref<!tpu.dma_semaphore, #tpu.memory_space<semaphore_mem>>)
      %dma_wait3A_83 = arith.constant 0 : i32
      %dma_wait3A_84 = arith.constant 0 : i32
      %dma_wait3A_85 = tpu.memref_slice %arg2[%add3A, %dma_wait3A_83, %dma_wait3A_84] : memref<32x50x128xi32, #tpu.memory_space<hbm>> -> memref<1x50x128xi32, #tpu.memory_space<hbm>>
      %dma_wait3A_86 = tpu.memref_squeeze %dma_wait3A_85 : memref<1x50x128xi32, #tpu.memory_space<hbm>> -> memref<50x128xi32, #tpu.memory_space<hbm>>
      %dma_wait3A_87 = arith.constant 0 : i32
      %dma_wait3A_88 = arith.constant 0 : i32
      %dma_wait3A_89 = tpu.memref_slice %arg2[%add3A, %dma_wait3A_87, %dma_wait3A_88] : memref<32x50x128xi32, #tpu.memory_space<hbm>> -> memref<1x50x128xi32, #tpu.memory_space<hbm>>
      %dma_wait3A_90 = tpu.memref_squeeze %dma_wait3A_89 : memref<1x50x128xi32, #tpu.memory_space<hbm>> -> memref<50x128xi32, #tpu.memory_space<hbm>>
      tpu.wait_dma2 semaphore(%run_scoped3A : memref<!tpu.dma_semaphore, #tpu.memory_space<semaphore_mem>>) src(%dma_wait3A_90 : memref<50x128xi32, #tpu.memory_space<hbm>>) dst(%arg6 : memref<50x128xi32, #tpu.memory_space<vmem>>)
      tpu.yield
    }) : () -> ()
    "tpu.region"() ({
      %run_scoped3A = tpu.sem_alloc : memref<!tpu.dma_semaphore, #tpu.memory_space<semaphore_mem>>
      tpu.enqueue_dma source(%arg4 : memref<128xf32, #tpu.memory_space<hbm>>) target(%arg7 : memref<128xf32, #tpu.memory_space<vmem>>) target_semaphore(%run_scoped3A : memref<!tpu.dma_semaphore, #tpu.memory_space<semaphore_mem>>)
      tpu.wait_dma2 semaphore(%run_scoped3A : memref<!tpu.dma_semaphore, #tpu.memory_space<semaphore_mem>>) src(%arg4 : memref<128xf32, #tpu.memory_space<hbm>>) dst(%arg7 : memref<128xf32, #tpu.memory_space<vmem>>)
      tpu.yield
    }) : () -> ()
    %rem3A = arith.constant 0 : i32
    %rem3A_3 = arith.constant 4 : i32
    %rem3A_4 = arith.remsi %rem3A, %rem3A_3 : i32
    %dma_start3A = arith.constant 0 : i32
    %dma_start3A_5 = arith.constant 0 : i32
    %dma_start3A_6 = arith.constant 0 : i32
    %dma_start3A_7 = tpu.memref_slice %arg8[%rem3A_4, %dma_start3A_5, %dma_start3A_6] : memref<4x128x128xf32, #tpu.memory_space<vmem>> -> memref<1x128x128xf32, #tpu.memory_space<vmem>>
    %dma_start3A_8 = tpu.memref_squeeze %dma_start3A_7 : memref<1x128x128xf32, #tpu.memory_space<vmem>> -> memref<128x128xf32, #tpu.memory_space<vmem>>
    %dma_start3A_9 = arith.constant 0 : i32
    %dma_start3A_10 = tpu.memref_slice %arg6[%dma_start3A, %dma_start3A_9] : memref<50x128xi32, #tpu.memory_space<vmem>> -> memref<1x128xi32, #tpu.memory_space<vmem>>
    %dma_start3A_11 = tpu.memref_squeeze %dma_start3A_10 : memref<1x128xi32, #tpu.memory_space<vmem>> -> memref<128xi32, #tpu.memory_space<vmem>>
    %dma_start3A_12 = arith.constant 0 : i32
    %dma_start3A_13 = arith.constant 0 : i32
    %dma_start3A_14 = tpu.memref_slice %arg3[%dma_start3A_12, %dma_start3A_13] : memref<100000x128xf32, #tpu.memory_space<hbm>> -> memref<100000x128xf32, #tpu.memory_space<hbm>>
    %dma_start3A_15 = tpu.memref_slice %arg9[%rem3A_4] : memref<4x!tpu.dma_semaphore, #tpu.memory_space<semaphore_mem>> -> memref<1x!tpu.dma_semaphore, #tpu.memory_space<semaphore_mem>>
    %dma_start3A_16 = tpu.memref_squeeze %dma_start3A_15 : memref<1x!tpu.dma_semaphore, #tpu.memory_space<semaphore_mem>> -> memref<!tpu.dma_semaphore, #tpu.memory_space<semaphore_mem>>
    tpu.enqueue_indirect_dma source(%dma_start3A_14 : memref<100000x128xf32, #tpu.memory_space<hbm>>) target(%dma_start3A_8 : memref<128x128xf32, #tpu.memory_space<vmem>>) offsets(%dma_start3A_11 : memref<128xi32, #tpu.memory_space<vmem>>) semaphore(%dma_start3A_16 : memref<!tpu.dma_semaphore, #tpu.memory_space<semaphore_mem>>)
    %rem3A_17 = arith.constant 1 : i32
    %rem3A_18 = arith.constant 4 : i32
    %rem3A_19 = arith.remsi %rem3A_17, %rem3A_18 : i32
    %dma_start3A_20 = arith.constant 1 : i32
    %dma_start3A_21 = arith.constant 0 : i32
    %dma_start3A_22 = arith.constant 0 : i32
    %dma_start3A_23 = tpu.memref_slice %arg8[%rem3A_19, %dma_start3A_21, %dma_start3A_22] : memref<4x128x128xf32, #tpu.memory_space<vmem>> -> memref<1x128x128xf32, #tpu.memory_space<vmem>>
    %dma_start3A_24 = tpu.memref_squeeze %dma_start3A_23 : memref<1x128x128xf32, #tpu.memory_space<vmem>> -> memref<128x128xf32, #tpu.memory_space<vmem>>
    %dma_start3A_25 = arith.constant 0 : i32
    %dma_start3A_26 = tpu.memref_slice %arg6[%dma_start3A_20, %dma_start3A_25] : memref<50x128xi32, #tpu.memory_space<vmem>> -> memref<1x128xi32, #tpu.memory_space<vmem>>
    %dma_start3A_27 = tpu.memref_squeeze %dma_start3A_26 : memref<1x128xi32, #tpu.memory_space<vmem>> -> memref<128xi32, #tpu.memory_space<vmem>>
    %dma_start3A_28 = arith.constant 0 : i32
    %dma_start3A_29 = arith.constant 0 : i32
    %dma_start3A_30 = tpu.memref_slice %arg3[%dma_start3A_28, %dma_start3A_29] : memref<100000x128xf32, #tpu.memory_space<hbm>> -> memref<100000x128xf32, #tpu.memory_space<hbm>>
    %dma_start3A_31 = tpu.memref_slice %arg9[%rem3A_19] : memref<4x!tpu.dma_semaphore, #tpu.memory_space<semaphore_mem>> -> memref<1x!tpu.dma_semaphore, #tpu.memory_space<semaphore_mem>>
    %dma_start3A_32 = tpu.memref_squeeze %dma_start3A_31 : memref<1x!tpu.dma_semaphore, #tpu.memory_space<semaphore_mem>> -> memref<!tpu.dma_semaphore, #tpu.memory_space<semaphore_mem>>
    tpu.enqueue_indirect_dma source(%dma_start3A_30 : memref<100000x128xf32, #tpu.memory_space<hbm>>) target(%dma_start3A_24 : memref<128x128xf32, #tpu.memory_space<vmem>>) offsets(%dma_start3A_27 : memref<128xi32, #tpu.memory_space<vmem>>) semaphore(%dma_start3A_32 : memref<!tpu.dma_semaphore, #tpu.memory_space<semaphore_mem>>)
    %scan3A = arith.constant 0 : i32
    %scan3A_33 = arith.constant 0 : i32
    %scan3A_34 = arith.constant 50 : i32
    %scan3A_35 = arith.addi %scan3A_33, %scan3A_34 : i32
    %scan3A_36 = arith.constant 1 : i32
    scf.for %scan3A_75 = %scan3A_33 to %scan3A_35 step %scan3A_36  : i32 {
      %rem3A_76 = arith.constant 4 : i32
      %rem3A_77 = arith.remsi %scan3A_75, %rem3A_76 : i32
      %dma_wait3A_78 = arith.constant 0 : i32
      %dma_wait3A_79 = arith.constant 0 : i32
      %dma_wait3A_80 = tpu.memref_slice %arg8[%rem3A_77, %dma_wait3A_78, %dma_wait3A_79] : memref<4x128x128xf32, #tpu.memory_space<vmem>> -> memref<1x128x128xf32, #tpu.memory_space<vmem>>
      %dma_wait3A_81 = tpu.memref_squeeze %dma_wait3A_80 : memref<1x128x128xf32, #tpu.memory_space<vmem>> -> memref<128x128xf32, #tpu.memory_space<vmem>>
      %dma_wait3A_82 = arith.constant 0 : i32
      %dma_wait3A_83 = tpu.memref_slice %arg6[%scan3A_75, %dma_wait3A_82] : memref<50x128xi32, #tpu.memory_space<vmem>> -> memref<1x128xi32, #tpu.memory_space<vmem>>
      %dma_wait3A_84 = tpu.memref_squeeze %dma_wait3A_83 : memref<1x128xi32, #tpu.memory_space<vmem>> -> memref<128xi32, #tpu.memory_space<vmem>>
      %dma_wait3A_85 = arith.constant 0 : i32
      %dma_wait3A_86 = arith.constant 0 : i32
      %dma_wait3A_87 = tpu.memref_slice %arg3[%dma_wait3A_85, %dma_wait3A_86] : memref<100000x128xf32, #tpu.memory_space<hbm>> -> memref<100000x128xf32, #tpu.memory_space<hbm>>
      %dma_wait3A_88 = tpu.memref_slice %arg9[%rem3A_77] : memref<4x!tpu.dma_semaphore, #tpu.memory_space<semaphore_mem>> -> memref<1x!tpu.dma_semaphore, #tpu.memory_space<semaphore_mem>>
      %dma_wait3A_89 = tpu.memref_squeeze %dma_wait3A_88 : memref<1x!tpu.dma_semaphore, #tpu.memory_space<semaphore_mem>> -> memref<!tpu.dma_semaphore, #tpu.memory_space<semaphore_mem>>
      tpu.wait_indirect_dma semaphore(%dma_wait3A_89 : memref<!tpu.dma_semaphore, #tpu.memory_space<semaphore_mem>>) src(%dma_wait3A_87 : memref<100000x128xf32, #tpu.memory_space<hbm>>) dst(%dma_wait3A_81 : memref<128x128xf32, #tpu.memory_space<vmem>>)
      %rem3A_90 = arith.constant 4 : i32
      %rem3A_91 = arith.remsi %scan3A_75, %rem3A_90 : i32
      %get3A = arith.index_cast %scan3A_75 : i32 to index
      %get3A_92 = arith.constant 0 : index
      %get3A_93 = tpu.vector_load %arg6[%get3A, %get3A_92] {strides = array<i32>} : memref<50x128xi32, #tpu.memory_space<vmem>>, vector<16xi32>,
      %eq3A = arith.constant 99999 : i32
      %eq3A_94 = vector.broadcast %eq3A : i32 to vector<16xi32>
      %eq3A_95 = arith.cmpi eq, %get3A_93, %eq3A_94 : vector<16xi32>
      %get3A_96 = arith.index_cast %scan3A_75 : i32 to index
      %get3A_97 = arith.constant 16 : index
      %get3A_98 = tpu.vector_load %arg6[%get3A_96, %get3A_97] {strides = array<i32>} : memref<50x128xi32, #tpu.memory_space<vmem>>, vector<16xi32>,
      %eq3A_99 = arith.constant 99999 : i32
      %eq3A_100 = vector.broadcast %eq3A_99 : i32 to vector<16xi32>
      %eq3A_101 = arith.cmpi eq, %get3A_98, %eq3A_100 : vector<16xi32>
      %or3A = arith.ori %eq3A_95, %eq3A_101 : vector<16xi1>
      %get3A_102 = arith.index_cast %scan3A_75 : i32 to index
      %get3A_103 = arith.constant 32 : index
      %get3A_104 = tpu.vector_load %arg6[%get3A_102, %get3A_103] {strides = array<i32>} : memref<50x128xi32, #tpu.memory_space<vmem>>, vector<16xi32>,
      %eq3A_105 = arith.constant 99999 : i32
      %eq3A_106 = vector.broadcast %eq3A_105 : i32 to vector<16xi32>
      %eq3A_107 = arith.cmpi eq, %get3A_104, %eq3A_106 : vector<16xi32>
      %or3A_108 = arith.ori %or3A, %eq3A_107 : vector<16xi1>
      %get3A_109 = arith.index_cast %scan3A_75 : i32 to index
      %get3A_110 = arith.constant 48 : index
      %get3A_111 = tpu.vector_load %arg6[%get3A_109, %get3A_110] {strides = array<i32>} : memref<50x128xi32, #tpu.memory_space<vmem>>, vector<16xi32>,
      %eq3A_112 = arith.constant 99999 : i32
      %eq3A_113 = vector.broadcast %eq3A_112 : i32 to vector<16xi32>
      %eq3A_114 = arith.cmpi eq, %get3A_111, %eq3A_113 : vector<16xi32>
      %or3A_115 = arith.ori %or3A_108, %eq3A_114 : vector<16xi1>
      %get3A_116 = arith.index_cast %scan3A_75 : i32 to index
      %get3A_117 = arith.constant 64 : index
      %get3A_118 = tpu.vector_load %arg6[%get3A_116, %get3A_117] {strides = array<i32>} : memref<50x128xi32, #tpu.memory_space<vmem>>, vector<16xi32>,
      %eq3A_119 = arith.constant 99999 : i32
      %eq3A_120 = vector.broadcast %eq3A_119 : i32 to vector<16xi32>
      %eq3A_121 = arith.cmpi eq, %get3A_118, %eq3A_120 : vector<16xi32>
      %or3A_122 = arith.ori %or3A_115, %eq3A_121 : vector<16xi1>
      %get3A_123 = arith.index_cast %scan3A_75 : i32 to index
      %get3A_124 = arith.constant 80 : index
      %get3A_125 = tpu.vector_load %arg6[%get3A_123, %get3A_124] {strides = array<i32>} : memref<50x128xi32, #tpu.memory_space<vmem>>, vector<16xi32>,
      %eq3A_126 = arith.constant 99999 : i32
      %eq3A_127 = vector.broadcast %eq3A_126 : i32 to vector<16xi32>
      %eq3A_128 = arith.cmpi eq, %get3A_125, %eq3A_127 : vector<16xi32>
      %or3A_129 = arith.ori %or3A_122, %eq3A_128 : vector<16xi1>
      %get3A_130 = arith.index_cast %scan3A_75 : i32 to index
      %get3A_131 = arith.constant 96 : index
      %get3A_132 = tpu.vector_load %arg6[%get3A_130, %get3A_131] {strides = array<i32>} : memref<50x128xi32, #tpu.memory_space<vmem>>, vector<16xi32>,
      %eq3A_133 = arith.constant 99999 : i32
      %eq3A_134 = vector.broadcast %eq3A_133 : i32 to vector<16xi32>
      %eq3A_135 = arith.cmpi eq, %get3A_132, %eq3A_134 : vector<16xi32>
      %or3A_136 = arith.ori %or3A_129, %eq3A_135 : vector<16xi1>
      %get3A_137 = arith.index_cast %scan3A_75 : i32 to index
      %get3A_138 = arith.constant 112 : index
      %get3A_139 = tpu.vector_load %arg6[%get3A_137, %get3A_138] {strides = array<i32>} : memref<50x128xi32, #tpu.memory_space<vmem>>, vector<16xi32>,
      %eq3A_140 = arith.constant 99999 : i32
      %eq3A_141 = vector.broadcast %eq3A_140 : i32 to vector<16xi32>
      %eq3A_142 = arith.cmpi eq, %get3A_139, %eq3A_141 : vector<16xi32>
      %or3A_143 = arith.ori %or3A_136, %eq3A_142 : vector<16xi1>
      %all_reduce_population_count3A = tpu.all_reduce %or3A_143 {dim = 0 : i64, kind = #tpu.reduction_kind<sum>} : vector<16xi1> -> vector<16xi32>
      %slice3A = vector.extract_strided_slice %all_reduce_population_count3A {offsets = [0], sizes = [1], strides = [1]} : vector<16xi32> to vector<1xi32>
      %squeeze3A = vector.extract %slice3A[0] : i32 from vector<1xi32>
      %gt3A = arith.constant 0 : i32
      %gt3A_144 = arith.cmpi sgt, %squeeze3A, %gt3A : i32
      %convert_element_type3A = arith.extui %gt3A_144 : i1 to i32
      %cond3A = arith.constant 0 : i32
      %cond3A_145 = arith.cmpi ne, %convert_element_type3A, %cond3A : i32
      scf.if %cond3A_145 {
        %scan3A_175 = arith.constant 0 : i32
        %scan3A_176 = arith.constant 0 : i32
        %scan3A_177 = arith.constant 8 : i32
        %scan3A_178 = arith.addi %scan3A_176, %scan3A_177 : i32
        %scan3A_179 = arith.constant 1 : i32
        scf.for %scan3A_181 = %scan3A_176 to %scan3A_178 step %scan3A_179  : i32 {
          %mul3A_182 = arith.constant 16 : i32
          %mul3A_183 = arith.muli %scan3A_181, %mul3A_182 : i32
          %get3A_184 = arith.index_cast %scan3A_75 : i32 to index
          %get3A_185 = arith.index_cast %mul3A_183 : i32 to index
          %get3A_186 = tpu.vector_load %arg6[%get3A_184, %get3A_185] {strides = array<i32>} : memref<50x128xi32, #tpu.memory_space<vmem>>, vector<16xi32>,
          %eq3A_187 = arith.constant 99999 : i32
          %eq3A_188 = vector.broadcast %eq3A_187 : i32 to vector<16xi32>
          %eq3A_189 = arith.cmpi eq, %get3A_186, %eq3A_188 : vector<16xi32>
          %all_reduce_population_count3A_190 = tpu.all_reduce %eq3A_189 {dim = 0 : i64, kind = #tpu.reduction_kind<sum>} : vector<16xi1> -> vector<16xi32>
          %slice3A_191 = vector.extract_strided_slice %all_reduce_population_count3A_190 {offsets = [0], sizes = [1], strides = [1]} : vector<16xi32> to vector<1xi32>
          %squeeze3A_192 = vector.extract %slice3A_191[0] : i32 from vector<1xi32>
          %gt3A_193 = arith.constant 0 : i32
          %gt3A_194 = arith.cmpi sgt, %squeeze3A_192, %gt3A_193 : i32
          %convert_element_type3A_195 = arith.extui %gt3A_194 : i1 to i32
          %cond3A_196 = arith.constant 0 : i32
          %cond3A_197 = arith.cmpi ne, %convert_element_type3A_195, %cond3A_196 : i32
          scf.if %cond3A_197 {
            %slice3A_198 = vector.extract_strided_slice %get3A_186 {offsets = [0], sizes = [1], strides = [1]} : vector<16xi32> to vector<1xi32>
            %squeeze3A_199 = vector.extract %slice3A_198[0] : i32 from vector<1xi32>
            %eq3A_200 = arith.constant 99999 : i32
            %eq3A_201 = arith.cmpi eq, %squeeze3A_199, %eq3A_200 : i32
            %convert_element_type3A_202 = arith.extui %eq3A_201 : i1 to i32
            %cond3A_203 = arith.constant 0 : i32
            %cond3A_204 = arith.cmpi ne, %convert_element_type3A_202, %cond3A_203 : i32
            scf.if %cond3A_204 {
              %get3A_310 = arith.constant 0 : index
              %get3A_311 = tpu.vector_load %arg7[%get3A_310] {strides = array<i32>} : memref<128xf32, #tpu.memory_space<vmem>>, vector<16xf32>,
              %mul3A_312 = arith.constant 16 : i32
              %mul3A_313 = arith.muli %scan3A_181, %mul3A_312 : i32
              %add3A_314 = arith.constant 0 : i32
              %add3A_315 = arith.addi %mul3A_313, %add3A_314 : i32
              %swap3A = arith.index_cast %rem3A_91 : i32 to index
              %swap3A_316 = arith.index_cast %add3A_315 : i32 to index
              %swap3A_317 = arith.constant 0 : index
              %swap3A_318 = tpu.vector_load %arg8[%swap3A, %swap3A_316, %swap3A_317] {strides = array<i32>} : memref<4x128x128xf32, #tpu.memory_space<vmem>>, vector<16xf32>,
              tpu.vector_store %arg8[%swap3A, %swap3A_316, %swap3A_317], %get3A_311 {strides = array<i32>} : memref<4x128x128xf32, #tpu.memory_space<vmem>>, vector<16xf32>,
              %get3A_319 = arith.constant 16 : index
              %get3A_320 = tpu.vector_load %arg7[%get3A_319] {strides = array<i32>} : memref<128xf32, #tpu.memory_space<vmem>>, vector<16xf32>,
              %mul3A_321 = arith.constant 16 : i32
              %mul3A_322 = arith.muli %scan3A_181, %mul3A_321 : i32
              %add3A_323 = arith.constant 0 : i32
              %add3A_324 = arith.addi %mul3A_322, %add3A_323 : i32
              %swap3A_325 = arith.index_cast %rem3A_91 : i32 to index
              %swap3A_326 = arith.index_cast %add3A_324 : i32 to index
              %swap3A_327 = arith.constant 16 : index
              %swap3A_328 = tpu.vector_load %arg8[%swap3A_325, %swap3A_326, %swap3A_327] {strides = array<i32>} : memref<4x128x128xf32, #tpu.memory_space<vmem>>, vector<16xf32>,
              tpu.vector_store %arg8[%swap3A_325, %swap3A_326, %swap3A_327], %get3A_320 {strides = array<i32>} : memref<4x128x128xf32, #tpu.memory_space<vmem>>, vector<16xf32>,
              %get3A_329 = arith.constant 32 : index
              %get3A_330 = tpu.vector_load %arg7[%get3A_329] {strides = array<i32>} : memref<128xf32, #tpu.memory_space<vmem>>, vector<16xf32>,
              %mul3A_331 = arith.constant 16 : i32
              %mul3A_332 = arith.muli %scan3A_181, %mul3A_331 : i32
              %add3A_333 = arith.constant 0 : i32
              %add3A_334 = arith.addi %mul3A_332, %add3A_333 : i32
              %swap3A_335 = arith.index_cast %rem3A_91 : i32 to index
              %swap3A_336 = arith.index_cast %add3A_334 : i32 to index
              %swap3A_337 = arith.constant 32 : index
              %swap3A_338 = tpu.vector_load %arg8[%swap3A_335, %swap3A_336, %swap3A_337] {strides = array<i32>} : memref<4x128x128xf32, #tpu.memory_space<vmem>>, vector<16xf32>,
              tpu.vector_store %arg8[%swap3A_335, %swap3A_336, %swap3A_337], %get3A_330 {strides = array<i32>} : memref<4x128x128xf32, #tpu.memory_space<vmem>>, vector<16xf32>,
              %get3A_339 = arith.constant 48 : index
              %get3A_340 = tpu.vector_load %arg7[%get3A_339] {strides = array<i32>} : memref<128xf32, #tpu.memory_space<vmem>>, vector<16xf32>,
              %mul3A_341 = arith.constant 16 : i32
              %mul3A_342 = arith.muli %scan3A_181, %mul3A_341 : i32
              %add3A_343 = arith.constant 0 : i32
              %add3A_344 = arith.addi %mul3A_342, %add3A_343 : i32
              %swap3A_345 = arith.index_cast %rem3A_91 : i32 to index
              %swap3A_346 = arith.index_cast %add3A_344 : i32 to index
              %swap3A_347 = arith.constant 48 : index
              %swap3A_348 = tpu.vector_load %arg8[%swap3A_345, %swap3A_346, %swap3A_347] {strides = array<i32>} : memref<4x128x128xf32, #tpu.memory_space<vmem>>, vector<16xf32>,
              tpu.vector_store %arg8[%swap3A_345, %swap3A_346, %swap3A_347], %get3A_340 {strides = array<i32>} : memref<4x128x128xf32, #tpu.memory_space<vmem>>, vector<16xf32>,
              %get3A_349 = arith.constant 64 : index
              %get3A_350 = tpu.vector_load %arg7[%get3A_349] {strides = array<i32>} : memref<128xf32, #tpu.memory_space<vmem>>, vector<16xf32>,
              %mul3A_351 = arith.constant 16 : i32
              %mul3A_352 = arith.muli %scan3A_181, %mul3A_351 : i32
              %add3A_353 = arith.constant 0 : i32
              %add3A_354 = arith.addi %mul3A_352, %add3A_353 : i32
              %swap3A_355 = arith.index_cast %rem3A_91 : i32 to index
              %swap3A_356 = arith.index_cast %add3A_354 : i32 to index
              %swap3A_357 = arith.constant 64 : index
              %swap3A_358 = tpu.vector_load %arg8[%swap3A_355, %swap3A_356, %swap3A_357] {strides = array<i32>} : memref<4x128x128xf32, #tpu.memory_space<vmem>>, vector<16xf32>,
              tpu.vector_store %arg8[%swap3A_355, %swap3A_356, %swap3A_357], %get3A_350 {strides = array<i32>} : memref<4x128x128xf32, #tpu.memory_space<vmem>>, vector<16xf32>,
              %get3A_359 = arith.constant 80 : index
              %get3A_360 = tpu.vector_load %arg7[%get3A_359] {strides = array<i32>} : memref<128xf32, #tpu.memory_space<vmem>>, vector<16xf32>,
              %mul3A_361 = arith.constant 16 : i32
              %mul3A_362 = arith.muli %scan3A_181, %mul3A_361 : i32
              %add3A_363 = arith.constant 0 : i32
              %add3A_364 = arith.addi %mul3A_362, %add3A_363 : i32
              %swap3A_365 = arith.index_cast %rem3A_91 : i32 to index
              %swap3A_366 = arith.index_cast %add3A_364 : i32 to index
              %swap3A_367 = arith.constant 80 : index
              %swap3A_368 = tpu.vector_load %arg8[%swap3A_365, %swap3A_366, %swap3A_367] {strides = array<i32>} : memref<4x128x128xf32, #tpu.memory_space<vmem>>, vector<16xf32>,
              tpu.vector_store %arg8[%swap3A_365, %swap3A_366, %swap3A_367], %get3A_360 {strides = array<i32>} : memref<4x128x128xf32, #tpu.memory_space<vmem>>, vector<16xf32>,
              %get3A_369 = arith.constant 96 : index
              %get3A_370 = tpu.vector_load %arg7[%get3A_369] {strides = array<i32>} : memref<128xf32, #tpu.memory_space<vmem>>, vector<16xf32>,
              %mul3A_371 = arith.constant 16 : i32
              %mul3A_372 = arith.muli %scan3A_181, %mul3A_371 : i32
              %add3A_373 = arith.constant 0 : i32
              %add3A_374 = arith.addi %mul3A_372, %add3A_373 : i32
              %swap3A_375 = arith.index_cast %rem3A_91 : i32 to index
              %swap3A_376 = arith.index_cast %add3A_374 : i32 to index
              %swap3A_377 = arith.constant 96 : index
              %swap3A_378 = tpu.vector_load %arg8[%swap3A_375, %swap3A_376, %swap3A_377] {strides = array<i32>} : memref<4x128x128xf32, #tpu.memory_space<vmem>>, vector<16xf32>,
              tpu.vector_store %arg8[%swap3A_375, %swap3A_376, %swap3A_377], %get3A_370 {strides = array<i32>} : memref<4x128x128xf32, #tpu.memory_space<vmem>>, vector<16xf32>,
              %get3A_379 = arith.constant 112 : index
              %get3A_380 = tpu.vector_load %arg7[%get3A_379] {strides = array<i32>} : memref<128xf32, #tpu.memory_space<vmem>>, vector<16xf32>,
              %mul3A_381 = arith.constant 16 : i32
              %mul3A_382 = arith.muli %scan3A_181, %mul3A_381 : i32
              %add3A_383 = arith.constant 0 : i32
              %add3A_384 = arith.addi %mul3A_382, %add3A_383 : i32
              %swap3A_385 = arith.index_cast %rem3A_91 : i32 to index
              %swap3A_386 = arith.index_cast %add3A_384 : i32 to index
              %swap3A_387 = arith.constant 112 : index
              %swap3A_388 = tpu.vector_load %arg8[%swap3A_385, %swap3A_386, %swap3A_387] {strides = array<i32>} : memref<4x128x128xf32, #tpu.memory_space<vmem>>, vector<16xf32>,
              tpu.vector_store %arg8[%swap3A_385, %swap3A_386, %swap3A_387], %get3A_380 {strides = array<i32>} : memref<4x128x128xf32, #tpu.memory_space<vmem>>, vector<16xf32>,
            } else {
            }
            %slice3A_205 = vector.extract_strided_slice %get3A_186 {offsets = [1], sizes = [1], strides = [1]} : vector<16xi32> to vector<1xi32>
            %squeeze3A_206 = vector.extract %slice3A_205[0] : i32 from vector<1xi32>
            %eq3A_207 = arith.constant 99999 : i32
            %eq3A_208 = arith.cmpi eq, %squeeze3A_206, %eq3A_207 : i32
            %convert_element_type3A_209 = arith.extui %eq3A_208 : i1 to i32
            %cond3A_210 = arith.constant 0 : i32
            %cond3A_211 = arith.cmpi ne, %convert_element_type3A_209, %cond3A_210 : i32
            scf.if %cond3A_211 {
              %get3A_310 = arith.constant 0 : index
              %get3A_311 = tpu.vector_load %arg7[%get3A_310] {strides = array<i32>} : memref<128xf32, #tpu.memory_space<vmem>>, vector<16xf32>,
              %mul3A_312 = arith.constant 16 : i32
              %mul3A_313 = arith.muli %scan3A_181, %mul3A_312 : i32
              %add3A_314 = arith.constant 1 : i32
              %add3A_315 = arith.addi %mul3A_313, %add3A_314 : i32
              %swap3A = arith.index_cast %rem3A_91 : i32 to index
              %swap3A_316 = arith.index_cast %add3A_315 : i32 to index
              %swap3A_317 = arith.constant 0 : index
              %swap3A_318 = tpu.vector_load %arg8[%swap3A, %swap3A_316, %swap3A_317] {strides = array<i32>} : memref<4x128x128xf32, #tpu.memory_space<vmem>>, vector<16xf32>,
              tpu.vector_store %arg8[%swap3A, %swap3A_316, %swap3A_317], %get3A_311 {strides = array<i32>} : memref<4x128x128xf32, #tpu.memory_space<vmem>>, vector<16xf32>,
              %get3A_319 = arith.constant 16 : index
              %get3A_320 = tpu.vector_load %arg7[%get3A_319] {strides = array<i32>} : memref<128xf32, #tpu.memory_space<vmem>>, vector<16xf32>,
              %mul3A_321 = arith.constant 16 : i32
              %mul3A_322 = arith.muli %scan3A_181, %mul3A_321 : i32
              %add3A_323 = arith.constant 1 : i32
              %add3A_324 = arith.addi %mul3A_322, %add3A_323 : i32
              %swap3A_325 = arith.index_cast %rem3A_91 : i32 to index
              %swap3A_326 = arith.index_cast %add3A_324 : i32 to index
              %swap3A_327 = arith.constant 16 : index
              %swap3A_328 = tpu.vector_load %arg8[%swap3A_325, %swap3A_326, %swap3A_327] {strides = array<i32>} : memref<4x128x128xf32, #tpu.memory_space<vmem>>, vector<16xf32>,
              tpu.vector_store %arg8[%swap3A_325, %swap3A_326, %swap3A_327], %get3A_320 {strides = array<i32>} : memref<4x128x128xf32, #tpu.memory_space<vmem>>, vector<16xf32>,
              %get3A_329 = arith.constant 32 : index
              %get3A_330 = tpu.vector_load %arg7[%get3A_329] {strides = array<i32>} : memref<128xf32, #tpu.memory_space<vmem>>, vector<16xf32>,
              %mul3A_331 = arith.constant 16 : i32
              %mul3A_332 = arith.muli %scan3A_181, %mul3A_331 : i32
              %add3A_333 = arith.constant 1 : i32
              %add3A_334 = arith.addi %mul3A_332, %add3A_333 : i32
              %swap3A_335 = arith.index_cast %rem3A_91 : i32 to index
              %swap3A_336 = arith.index_cast %add3A_334 : i32 to index
              %swap3A_337 = arith.constant 32 : index
              %swap3A_338 = tpu.vector_load %arg8[%swap3A_335, %swap3A_336, %swap3A_337] {strides = array<i32>} : memref<4x128x128xf32, #tpu.memory_space<vmem>>, vector<16xf32>,
              tpu.vector_store %arg8[%swap3A_335, %swap3A_336, %swap3A_337], %get3A_330 {strides = array<i32>} : memref<4x128x128xf32, #tpu.memory_space<vmem>>, vector<16xf32>,
              %get3A_339 = arith.constant 48 : index
              %get3A_340 = tpu.vector_load %arg7[%get3A_339] {strides = array<i32>} : memref<128xf32, #tpu.memory_space<vmem>>, vector<16xf32>,
              %mul3A_341 = arith.constant 16 : i32
              %mul3A_342 = arith.muli %scan3A_181, %mul3A_341 : i32
              %add3A_343 = arith.constant 1 : i32
              %add3A_344 = arith.addi %mul3A_342, %add3A_343 : i32
              %swap3A_345 = arith.index_cast %rem3A_91 : i32 to index
              %swap3A_346 = arith.index_cast %add3A_344 : i32 to index
              %swap3A_347 = arith.constant 48 : index
              %swap3A_348 = tpu.vector_load %arg8[%swap3A_345, %swap3A_346, %swap3A_347] {strides = array<i32>} : memref<4x128x128xf32, #tpu.memory_space<vmem>>, vector<16xf32>,
              tpu.vector_store %arg8[%swap3A_345, %swap3A_346, %swap3A_347], %get3A_340 {strides = array<i32>} : memref<4x128x128xf32, #tpu.memory_space<vmem>>, vector<16xf32>,
              %get3A_349 = arith.constant 64 : index
              %get3A_350 = tpu.vector_load %arg7[%get3A_349] {strides = array<i32>} : memref<128xf32, #tpu.memory_space<vmem>>, vector<16xf32>,
              %mul3A_351 = arith.constant 16 : i32
              %mul3A_352 = arith.muli %scan3A_181, %mul3A_351 : i32
              %add3A_353 = arith.constant 1 : i32
              %add3A_354 = arith.addi %mul3A_352, %add3A_353 : i32
              %swap3A_355 = arith.index_cast %rem3A_91 : i32 to index
              %swap3A_356 = arith.index_cast %add3A_354 : i32 to index
              %swap3A_357 = arith.constant 64 : index
              %swap3A_358 = tpu.vector_load %arg8[%swap3A_355, %swap3A_356, %swap3A_357] {strides = array<i32>} : memref<4x128x128xf32, #tpu.memory_space<vmem>>, vector<16xf32>,
              tpu.vector_store %arg8[%swap3A_355, %swap3A_356, %swap3A_357], %get3A_350 {strides = array<i32>} : memref<4x128x128xf32, #tpu.memory_space<vmem>>, vector<16xf32>,
              %get3A_359 = arith.constant 80 : index
              %get3A_360 = tpu.vector_load %arg7[%get3A_359] {strides = array<i32>} : memref<128xf32, #tpu.memory_space<vmem>>, vector<16xf32>,
              %mul3A_361 = arith.constant 16 : i32
              %mul3A_362 = arith.muli %scan3A_181, %mul3A_361 : i32
              %add3A_363 = arith.constant 1 : i32
              %add3A_364 = arith.addi %mul3A_362, %add3A_363 : i32
              %swap3A_365 = arith.index_cast %rem3A_91 : i32 to index
              %swap3A_366 = arith.index_cast %add3A_364 : i32 to index
              %swap3A_367 = arith.constant 80 : index
              %swap3A_368 = tpu.vector_load %arg8[%swap3A_365, %swap3A_366, %swap3A_367] {strides = array<i32>} : memref<4x128x128xf32, #tpu.memory_space<vmem>>, vector<16xf32>,
              tpu.vector_store %arg8[%swap3A_365, %swap3A_366, %swap3A_367], %get3A_360 {strides = array<i32>} : memref<4x128x128xf32, #tpu.memory_space<vmem>>, vector<16xf32>,
              %get3A_369 = arith.constant 96 : index
              %get3A_370 = tpu.vector_load %arg7[%get3A_369] {strides = array<i32>} : memref<128xf32, #tpu.memory_space<vmem>>, vector<16xf32>,
              %mul3A_371 = arith.constant 16 : i32
              %mul3A_372 = arith.muli %scan3A_181, %mul3A_371 : i32
              %add3A_373 = arith.constant 1 : i32
              %add3A_374 = arith.addi %mul3A_372, %add3A_373 : i32
              %swap3A_375 = arith.index_cast %rem3A_91 : i32 to index
              %swap3A_376 = arith.index_cast %add3A_374 : i32 to index
              %swap3A_377 = arith.constant 96 : index
              %swap3A_378 = tpu.vector_load %arg8[%swap3A_375, %swap3A_376, %swap3A_377] {strides = array<i32>} : memref<4x128x128xf32, #tpu.memory_space<vmem>>, vector<16xf32>,
              tpu.vector_store %arg8[%swap3A_375, %swap3A_376, %swap3A_377], %get3A_370 {strides = array<i32>} : memref<4x128x128xf32, #tpu.memory_space<vmem>>, vector<16xf32>,
              %get3A_379 = arith.constant 112 : index
              %get3A_380 = tpu.vector_load %arg7[%get3A_379] {strides = array<i32>} : memref<128xf32, #tpu.memory_space<vmem>>, vector<16xf32>,
              %mul3A_381 = arith.constant 16 : i32
              %mul3A_382 = arith.muli %scan3A_181, %mul3A_381 : i32
              %add3A_383 = arith.constant 1 : i32
              %add3A_384 = arith.addi %mul3A_382, %add3A_383 : i32
              %swap3A_385 = arith.index_cast %rem3A_91 : i32 to index
              %swap3A_386 = arith.index_cast %add3A_384 : i32 to index
              %swap3A_387 = arith.constant 112 : index
              %swap3A_388 = tpu.vector_load %arg8[%swap3A_385, %swap3A_386, %swap3A_387] {strides = array<i32>} : memref<4x128x128xf32, #tpu.memory_space<vmem>>, vector<16xf32>,
              tpu.vector_store %arg8[%swap3A_385, %swap3A_386, %swap3A_387], %get3A_380 {strides = array<i32>} : memref<4x128x128xf32, #tpu.memory_space<vmem>>, vector<16xf32>,
            } else {
            }
            %slice3A_212 = vector.extract_strided_slice %get3A_186 {offsets = [2], sizes = [1], strides = [1]} : vector<16xi32> to vector<1xi32>
            %squeeze3A_213 = vector.extract %slice3A_212[0] : i32 from vector<1xi32>
            %eq3A_214 = arith.constant 99999 : i32
            %eq3A_215 = arith.cmpi eq, %squeeze3A_213, %eq3A_214 : i32
            %convert_element_type3A_216 = arith.extui %eq3A_215 : i1 to i32
            %cond3A_217 = arith.constant 0 : i32
            %cond3A_218 = arith.cmpi ne, %convert_element_type3A_216, %cond3A_217 : i32
            scf.if %cond3A_218 {
              %get3A_310 = arith.constant 0 : index
              %get3A_311 = tpu.vector_load %arg7[%get3A_310] {strides = array<i32>} : memref<128xf32, #tpu.memory_space<vmem>>, vector<16xf32>,
              %mul3A_312 = arith.constant 16 : i32
              %mul3A_313 = arith.muli %scan3A_181, %mul3A_312 : i32
              %add3A_314 = arith.constant 2 : i32
              %add3A_315 = arith.addi %mul3A_313, %add3A_314 : i32
              %swap3A = arith.index_cast %rem3A_91 : i32 to index
              %swap3A_316 = arith.index_cast %add3A_315 : i32 to index
              %swap3A_317 = arith.constant 0 : index
              %swap3A_318 = tpu.vector_load %arg8[%swap3A, %swap3A_316, %swap3A_317] {strides = array<i32>} : memref<4x128x128xf32, #tpu.memory_space<vmem>>, vector<16xf32>,
              tpu.vector_store %arg8[%swap3A, %swap3A_316, %swap3A_317], %get3A_311 {strides = array<i32>} : memref<4x128x128xf32, #tpu.memory_space<vmem>>, vector<16xf32>,
              %get3A_319 = arith.constant 16 : index
              %get3A_320 = tpu.vector_load %arg7[%get3A_319] {strides = array<i32>} : memref<128xf32, #tpu.memory_space<vmem>>, vector<16xf32>,
              %mul3A_321 = arith.constant 16 : i32
              %mul3A_322 = arith.muli %scan3A_181, %mul3A_321 : i32
              %add3A_323 = arith.constant 2 : i32
              %add3A_324 = arith.addi %mul3A_322, %add3A_323 : i32
              %swap3A_325 = arith.index_cast %rem3A_91 : i32 to index
              %swap3A_326 = arith.index_cast %add3A_324 : i32 to index
              %swap3A_327 = arith.constant 16 : index
              %swap3A_328 = tpu.vector_load %arg8[%swap3A_325, %swap3A_326, %swap3A_327] {strides = array<i32>} : memref<4x128x128xf32, #tpu.memory_space<vmem>>, vector<16xf32>,
              tpu.vector_store %arg8[%swap3A_325, %swap3A_326, %swap3A_327], %get3A_320 {strides = array<i32>} : memref<4x128x128xf32, #tpu.memory_space<vmem>>, vector<16xf32>,
              %get3A_329 = arith.constant 32 : index
              %get3A_330 = tpu.vector_load %arg7[%get3A_329] {strides = array<i32>} : memref<128xf32, #tpu.memory_space<vmem>>, vector<16xf32>,
              %mul3A_331 = arith.constant 16 : i32
              %mul3A_332 = arith.muli %scan3A_181, %mul3A_331 : i32
              %add3A_333 = arith.constant 2 : i32
              %add3A_334 = arith.addi %mul3A_332, %add3A_333 : i32
              %swap3A_335 = arith.index_cast %rem3A_91 : i32 to index
              %swap3A_336 = arith.index_cast %add3A_334 : i32 to index
              %swap3A_337 = arith.constant 32 : index
              %swap3A_338 = tpu.vector_load %arg8[%swap3A_335, %swap3A_336, %swap3A_337] {strides = array<i32>} : memref<4x128x128xf32, #tpu.memory_space<vmem>>, vector<16xf32>,
              tpu.vector_store %arg8[%swap3A_335, %swap3A_336, %swap3A_337], %get3A_330 {strides = array<i32>} : memref<4x128x128xf32, #tpu.memory_space<vmem>>, vector<16xf32>,
              %get3A_339 = arith.constant 48 : index
              %get3A_340 = tpu.vector_load %arg7[%get3A_339] {strides = array<i32>} : memref<128xf32, #tpu.memory_space<vmem>>, vector<16xf32>,
              %mul3A_341 = arith.constant 16 : i32
              %mul3A_342 = arith.muli %scan3A_181, %mul3A_341 : i32
              %add3A_343 = arith.constant 2 : i32
              %add3A_344 = arith.addi %mul3A_342, %add3A_343 : i32
              %swap3A_345 = arith.index_cast %rem3A_91 : i32 to index
              %swap3A_346 = arith.index_cast %add3A_344 : i32 to index
              %swap3A_347 = arith.constant 48 : index
              %swap3A_348 = tpu.vector_load %arg8[%swap3A_345, %swap3A_346, %swap3A_347] {strides = array<i32>} : memref<4x128x128xf32, #tpu.memory_space<vmem>>, vector<16xf32>,
              tpu.vector_store %arg8[%swap3A_345, %swap3A_346, %swap3A_347], %get3A_340 {strides = array<i32>} : memref<4x128x128xf32, #tpu.memory_space<vmem>>, vector<16xf32>,
              %get3A_349 = arith.constant 64 : index
              %get3A_350 = tpu.vector_load %arg7[%get3A_349] {strides = array<i32>} : memref<128xf32, #tpu.memory_space<vmem>>, vector<16xf32>,
              %mul3A_351 = arith.constant 16 : i32
              %mul3A_352 = arith.muli %scan3A_181, %mul3A_351 : i32
              %add3A_353 = arith.constant 2 : i32
              %add3A_354 = arith.addi %mul3A_352, %add3A_353 : i32
              %swap3A_355 = arith.index_cast %rem3A_91 : i32 to index
              %swap3A_356 = arith.index_cast %add3A_354 : i32 to index
              %swap3A_357 = arith.constant 64 : index
              %swap3A_358 = tpu.vector_load %arg8[%swap3A_355, %swap3A_356, %swap3A_357] {strides = array<i32>} : memref<4x128x128xf32, #tpu.memory_space<vmem>>, vector<16xf32>,
              tpu.vector_store %arg8[%swap3A_355, %swap3A_356, %swap3A_357], %get3A_350 {strides = array<i32>} : memref<4x128x128xf32, #tpu.memory_space<vmem>>, vector<16xf32>,
              %get3A_359 = arith.constant 80 : index
              %get3A_360 = tpu.vector_load %arg7[%get3A_359] {strides = array<i32>} : memref<128xf32, #tpu.memory_space<vmem>>, vector<16xf32>,
              %mul3A_361 = arith.constant 16 : i32
              %mul3A_362 = arith.muli %scan3A_181, %mul3A_361 : i32
              %add3A_363 = arith.constant 2 : i32
              %add3A_364 = arith.addi %mul3A_362, %add3A_363 : i32
              %swap3A_365 = arith.index_cast %rem3A_91 : i32 to index
              %swap3A_366 = arith.index_cast %add3A_364 : i32 to index
              %swap3A_367 = arith.constant 80 : index
              %swap3A_368 = tpu.vector_load %arg8[%swap3A_365, %swap3A_366, %swap3A_367] {strides = array<i32>} : memref<4x128x128xf32, #tpu.memory_space<vmem>>, vector<16xf32>,
              tpu.vector_store %arg8[%swap3A_365, %swap3A_366, %swap3A_367], %get3A_360 {strides = array<i32>} : memref<4x128x128xf32, #tpu.memory_space<vmem>>, vector<16xf32>,
              %get3A_369 = arith.constant 96 : index
              %get3A_370 = tpu.vector_load %arg7[%get3A_369] {strides = array<i32>} : memref<128xf32, #tpu.memory_space<vmem>>, vector<16xf32>,
              %mul3A_371 = arith.constant 16 : i32
              %mul3A_372 = arith.muli %scan3A_181, %mul3A_371 : i32
              %add3A_373 = arith.constant 2 : i32
              %add3A_374 = arith.addi %mul3A_372, %add3A_373 : i32
              %swap3A_375 = arith.index_cast %rem3A_91 : i32 to index
              %swap3A_376 = arith.index_cast %add3A_374 : i32 to index
              %swap3A_377 = arith.constant 96 : index
              %swap3A_378 = tpu.vector_load %arg8[%swap3A_375, %swap3A_376, %swap3A_377] {strides = array<i32>} : memref<4x128x128xf32, #tpu.memory_space<vmem>>, vector<16xf32>,
              tpu.vector_store %arg8[%swap3A_375, %swap3A_376, %swap3A_377], %get3A_370 {strides = array<i32>} : memref<4x128x128xf32, #tpu.memory_space<vmem>>, vector<16xf32>,
              %get3A_379 = arith.constant 112 : index
              %get3A_380 = tpu.vector_load %arg7[%get3A_379] {strides = array<i32>} : memref<128xf32, #tpu.memory_space<vmem>>, vector<16xf32>,
              %mul3A_381 = arith.constant 16 : i32
              %mul3A_382 = arith.muli %scan3A_181, %mul3A_381 : i32
              %add3A_383 = arith.constant 2 : i32
              %add3A_384 = arith.addi %mul3A_382, %add3A_383 : i32
              %swap3A_385 = arith.index_cast %rem3A_91 : i32 to index
              %swap3A_386 = arith.index_cast %add3A_384 : i32 to index
              %swap3A_387 = arith.constant 112 : index
              %swap3A_388 = tpu.vector_load %arg8[%swap3A_385, %swap3A_386, %swap3A_387] {strides = array<i32>} : memref<4x128x128xf32, #tpu.memory_space<vmem>>, vector<16xf32>,
              tpu.vector_store %arg8[%swap3A_385, %swap3A_386, %swap3A_387], %get3A_380 {strides = array<i32>} : memref<4x128x128xf32, #tpu.memory_space<vmem>>, vector<16xf32>,
            } else {
            }
            %slice3A_219 = vector.extract_strided_slice %get3A_186 {offsets = [3], sizes = [1], strides = [1]} : vector<16xi32> to vector<1xi32>
            %squeeze3A_220 = vector.extract %slice3A_219[0] : i32 from vector<1xi32>
            %eq3A_221 = arith.constant 99999 : i32
            %eq3A_222 = arith.cmpi eq, %squeeze3A_220, %eq3A_221 : i32
            %convert_element_type3A_223 = arith.extui %eq3A_222 : i1 to i32
            %cond3A_224 = arith.constant 0 : i32
            %cond3A_225 = arith.cmpi ne, %convert_element_type3A_223, %cond3A_224 : i32
            scf.if %cond3A_225 {
              %get3A_310 = arith.constant 0 : index
              %get3A_311 = tpu.vector_load %arg7[%get3A_310] {strides = array<i32>} : memref<128xf32, #tpu.memory_space<vmem>>, vector<16xf32>,
              %mul3A_312 = arith.constant 16 : i32
              %mul3A_313 = arith.muli %scan3A_181, %mul3A_312 : i32
              %add3A_314 = arith.constant 3 : i32
              %add3A_315 = arith.addi %mul3A_313, %add3A_314 : i32
              %swap3A = arith.index_cast %rem3A_91 : i32 to index
              %swap3A_316 = arith.index_cast %add3A_315 : i32 to index
              %swap3A_317 = arith.constant 0 : index
              %swap3A_318 = tpu.vector_load %arg8[%swap3A, %swap3A_316, %swap3A_317] {strides = array<i32>} : memref<4x128x128xf32, #tpu.memory_space<vmem>>, vector<16xf32>,
              tpu.vector_store %arg8[%swap3A, %swap3A_316, %swap3A_317], %get3A_311 {strides = array<i32>} : memref<4x128x128xf32, #tpu.memory_space<vmem>>, vector<16xf32>,
              %get3A_319 = arith.constant 16 : index
              %get3A_320 = tpu.vector_load %arg7[%get3A_319] {strides = array<i32>} : memref<128xf32, #tpu.memory_space<vmem>>, vector<16xf32>,
              %mul3A_321 = arith.constant 16 : i32
              %mul3A_322 = arith.muli %scan3A_181, %mul3A_321 : i32
              %add3A_323 = arith.constant 3 : i32
              %add3A_324 = arith.addi %mul3A_322, %add3A_323 : i32
              %swap3A_325 = arith.index_cast %rem3A_91 : i32 to index
              %swap3A_326 = arith.index_cast %add3A_324 : i32 to index
              %swap3A_327 = arith.constant 16 : index
              %swap3A_328 = tpu.vector_load %arg8[%swap3A_325, %swap3A_326, %swap3A_327] {strides = array<i32>} : memref<4x128x128xf32, #tpu.memory_space<vmem>>, vector<16xf32>,
              tpu.vector_store %arg8[%swap3A_325, %swap3A_326, %swap3A_327], %get3A_320 {strides = array<i32>} : memref<4x128x128xf32, #tpu.memory_space<vmem>>, vector<16xf32>,
              %get3A_329 = arith.constant 32 : index
              %get3A_330 = tpu.vector_load %arg7[%get3A_329] {strides = array<i32>} : memref<128xf32, #tpu.memory_space<vmem>>, vector<16xf32>,
              %mul3A_331 = arith.constant 16 : i32
              %mul3A_332 = arith.muli %scan3A_181, %mul3A_331 : i32
              %add3A_333 = arith.constant 3 : i32
              %add3A_334 = arith.addi %mul3A_332, %add3A_333 : i32
              %swap3A_335 = arith.index_cast %rem3A_91 : i32 to index
              %swap3A_336 = arith.index_cast %add3A_334 : i32 to index
              %swap3A_337 = arith.constant 32 : index
              %swap3A_338 = tpu.vector_load %arg8[%swap3A_335, %swap3A_336, %swap3A_337] {strides = array<i32>} : memref<4x128x128xf32, #tpu.memory_space<vmem>>, vector<16xf32>,
              tpu.vector_store %arg8[%swap3A_335, %swap3A_336, %swap3A_337], %get3A_330 {strides = array<i32>} : memref<4x128x128xf32, #tpu.memory_space<vmem>>, vector<16xf32>,
              %get3A_339 = arith.constant 48 : index
              %get3A_340 = tpu.vector_load %arg7[%get3A_339] {strides = array<i32>} : memref<128xf32, #tpu.memory_space<vmem>>, vector<16xf32>,
              %mul3A_341 = arith.constant 16 : i32
              %mul3A_342 = arith.muli %scan3A_181, %mul3A_341 : i32
              %add3A_343 = arith.constant 3 : i32
              %add3A_344 = arith.addi %mul3A_342, %add3A_343 : i32
              %swap3A_345 = arith.index_cast %rem3A_91 : i32 to index
              %swap3A_346 = arith.index_cast %add3A_344 : i32 to index
              %swap3A_347 = arith.constant 48 : index
              %swap3A_348 = tpu.vector_load %arg8[%swap3A_345, %swap3A_346, %swap3A_347] {strides = array<i32>} : memref<4x128x128xf32, #tpu.memory_space<vmem>>, vector<16xf32>,
              tpu.vector_store %arg8[%swap3A_345, %swap3A_346, %swap3A_347], %get3A_340 {strides = array<i32>} : memref<4x128x128xf32, #tpu.memory_space<vmem>>, vector<16xf32>,
              %get3A_349 = arith.constant 64 : index
              %get3A_350 = tpu.vector_load %arg7[%get3A_349] {strides = array<i32>} : memref<128xf32, #tpu.memory_space<vmem>>, vector<16xf32>,
              %mul3A_351 = arith.constant 16 : i32
              %mul3A_352 = arith.muli %scan3A_181, %mul3A_351 : i32
              %add3A_353 = arith.constant 3 : i32
              %add3A_354 = arith.addi %mul3A_352, %add3A_353 : i32
              %swap3A_355 = arith.index_cast %rem3A_91 : i32 to index
              %swap3A_356 = arith.index_cast %add3A_354 : i32 to index
              %swap3A_357 = arith.constant 64 : index
              %swap3A_358 = tpu.vector_load %arg8[%swap3A_355, %swap3A_356, %swap3A_357] {strides = array<i32>} : memref<4x128x128xf32, #tpu.memory_space<vmem>>, vector<16xf32>,
              tpu.vector_store %arg8[%swap3A_355, %swap3A_356, %swap3A_357], %get3A_350 {strides = array<i32>} : memref<4x128x128xf32, #tpu.memory_space<vmem>>, vector<16xf32>,
              %get3A_359 = arith.constant 80 : index
              %get3A_360 = tpu.vector_load %arg7[%get3A_359] {strides = array<i32>} : memref<128xf32, #tpu.memory_space<vmem>>, vector<16xf32>,
              %mul3A_361 = arith.constant 16 : i32
              %mul3A_362 = arith.muli %scan3A_181, %mul3A_361 : i32
              %add3A_363 = arith.constant 3 : i32
              %add3A_364 = arith.addi %mul3A_362, %add3A_363 : i32
              %swap3A_365 = arith.index_cast %rem3A_91 : i32 to index
              %swap3A_366 = arith.index_cast %add3A_364 : i32 to index
              %swap3A_367 = arith.constant 80 : index
              %swap3A_368 = tpu.vector_load %arg8[%swap3A_365, %swap3A_366, %swap3A_367] {strides = array<i32>} : memref<4x128x128xf32, #tpu.memory_space<vmem>>, vector<16xf32>,
              tpu.vector_store %arg8[%swap3A_365, %swap3A_366, %swap3A_367], %get3A_360 {strides = array<i32>} : memref<4x128x128xf32, #tpu.memory_space<vmem>>, vector<16xf32>,
              %get3A_369 = arith.constant 96 : index
              %get3A_370 = tpu.vector_load %arg7[%get3A_369] {strides = array<i32>} : memref<128xf32, #tpu.memory_space<vmem>>, vector<16xf32>,
              %mul3A_371 = arith.constant 16 : i32
              %mul3A_372 = arith.muli %scan3A_181, %mul3A_371 : i32
              %add3A_373 = arith.constant 3 : i32
              %add3A_374 = arith.addi %mul3A_372, %add3A_373 : i32
              %swap3A_375 = arith.index_cast %rem3A_91 : i32 to index
              %swap3A_376 = arith.index_cast %add3A_374 : i32 to index
              %swap3A_377 = arith.constant 96 : index
              %swap3A_378 = tpu.vector_load %arg8[%swap3A_375, %swap3A_376, %swap3A_377] {strides = array<i32>} : memref<4x128x128xf32, #tpu.memory_space<vmem>>, vector<16xf32>,
              tpu.vector_store %arg8[%swap3A_375, %swap3A_376, %swap3A_377], %get3A_370 {strides = array<i32>} : memref<4x128x128xf32, #tpu.memory_space<vmem>>, vector<16xf32>,
              %get3A_379 = arith.constant 112 : index
              %get3A_380 = tpu.vector_load %arg7[%get3A_379] {strides = array<i32>} : memref<128xf32, #tpu.memory_space<vmem>>, vector<16xf32>,
              %mul3A_381 = arith.constant 16 : i32
              %mul3A_382 = arith.muli %scan3A_181, %mul3A_381 : i32
              %add3A_383 = arith.constant 3 : i32
              %add3A_384 = arith.addi %mul3A_382, %add3A_383 : i32
              %swap3A_385 = arith.index_cast %rem3A_91 : i32 to index
              %swap3A_386 = arith.index_cast %add3A_384 : i32 to index
              %swap3A_387 = arith.constant 112 : index
              %swap3A_388 = tpu.vector_load %arg8[%swap3A_385, %swap3A_386, %swap3A_387] {strides = array<i32>} : memref<4x128x128xf32, #tpu.memory_space<vmem>>, vector<16xf32>,
              tpu.vector_store %arg8[%swap3A_385, %swap3A_386, %swap3A_387], %get3A_380 {strides = array<i32>} : memref<4x128x128xf32, #tpu.memory_space<vmem>>, vector<16xf32>,
            } else {
            }
            %slice3A_226 = vector.extract_strided_slice %get3A_186 {offsets = [4], sizes = [1], strides = [1]} : vector<16xi32> to vector<1xi32>
            %squeeze3A_227 = vector.extract %slice3A_226[0] : i32 from vector<1xi32>
            %eq3A_228 = arith.constant 99999 : i32
            %eq3A_229 = arith.cmpi eq, %squeeze3A_227, %eq3A_228 : i32
            %convert_element_type3A_230 = arith.extui %eq3A_229 : i1 to i32
            %cond3A_231 = arith.constant 0 : i32
            %cond3A_232 = arith.cmpi ne, %convert_element_type3A_230, %cond3A_231 : i32
            scf.if %cond3A_232 {
              %get3A_310 = arith.constant 0 : index
              %get3A_311 = tpu.vector_load %arg7[%get3A_310] {strides = array<i32>} : memref<128xf32, #tpu.memory_space<vmem>>, vector<16xf32>,
              %mul3A_312 = arith.constant 16 : i32
              %mul3A_313 = arith.muli %scan3A_181, %mul3A_312 : i32
              %add3A_314 = arith.constant 4 : i32
              %add3A_315 = arith.addi %mul3A_313, %add3A_314 : i32
              %swap3A = arith.index_cast %rem3A_91 : i32 to index
              %swap3A_316 = arith.index_cast %add3A_315 : i32 to index
              %swap3A_317 = arith.constant 0 : index
              %swap3A_318 = tpu.vector_load %arg8[%swap3A, %swap3A_316, %swap3A_317] {strides = array<i32>} : memref<4x128x128xf32, #tpu.memory_space<vmem>>, vector<16xf32>,
              tpu.vector_store %arg8[%swap3A, %swap3A_316, %swap3A_317], %get3A_311 {strides = array<i32>} : memref<4x128x128xf32, #tpu.memory_space<vmem>>, vector<16xf32>,
              %get3A_319 = arith.constant 16 : index
              %get3A_320 = tpu.vector_load %arg7[%get3A_319] {strides = array<i32>} : memref<128xf32, #tpu.memory_space<vmem>>, vector<16xf32>,
              %mul3A_321 = arith.constant 16 : i32
              %mul3A_322 = arith.muli %scan3A_181, %mul3A_321 : i32
              %add3A_323 = arith.constant 4 : i32
              %add3A_324 = arith.addi %mul3A_322, %add3A_323 : i32
              %swap3A_325 = arith.index_cast %rem3A_91 : i32 to index
              %swap3A_326 = arith.index_cast %add3A_324 : i32 to index
              %swap3A_327 = arith.constant 16 : index
              %swap3A_328 = tpu.vector_load %arg8[%swap3A_325, %swap3A_326, %swap3A_327] {strides = array<i32>} : memref<4x128x128xf32, #tpu.memory_space<vmem>>, vector<16xf32>,
              tpu.vector_store %arg8[%swap3A_325, %swap3A_326, %swap3A_327], %get3A_320 {strides = array<i32>} : memref<4x128x128xf32, #tpu.memory_space<vmem>>, vector<16xf32>,
              %get3A_329 = arith.constant 32 : index
              %get3A_330 = tpu.vector_load %arg7[%get3A_329] {strides = array<i32>} : memref<128xf32, #tpu.memory_space<vmem>>, vector<16xf32>,
              %mul3A_331 = arith.constant 16 : i32
              %mul3A_332 = arith.muli %scan3A_181, %mul3A_331 : i32
              %add3A_333 = arith.constant 4 : i32
              %add3A_334 = arith.addi %mul3A_332, %add3A_333 : i32
              %swap3A_335 = arith.index_cast %rem3A_91 : i32 to index
              %swap3A_336 = arith.index_cast %add3A_334 : i32 to index
              %swap3A_337 = arith.constant 32 : index
              %swap3A_338 = tpu.vector_load %arg8[%swap3A_335, %swap3A_336, %swap3A_337] {strides = array<i32>} : memref<4x128x128xf32, #tpu.memory_space<vmem>>, vector<16xf32>,
              tpu.vector_store %arg8[%swap3A_335, %swap3A_336, %swap3A_337], %get3A_330 {strides = array<i32>} : memref<4x128x128xf32, #tpu.memory_space<vmem>>, vector<16xf32>,
              %get3A_339 = arith.constant 48 : index
              %get3A_340 = tpu.vector_load %arg7[%get3A_339] {strides = array<i32>} : memref<128xf32, #tpu.memory_space<vmem>>, vector<16xf32>,
              %mul3A_341 = arith.constant 16 : i32
              %mul3A_342 = arith.muli %scan3A_181, %mul3A_341 : i32
              %add3A_343 = arith.constant 4 : i32
              %add3A_344 = arith.addi %mul3A_342, %add3A_343 : i32
              %swap3A_345 = arith.index_cast %rem3A_91 : i32 to index
              %swap3A_346 = arith.index_cast %add3A_344 : i32 to index
              %swap3A_347 = arith.constant 48 : index
              %swap3A_348 = tpu.vector_load %arg8[%swap3A_345, %swap3A_346, %swap3A_347] {strides = array<i32>} : memref<4x128x128xf32, #tpu.memory_space<vmem>>, vector<16xf32>,
              tpu.vector_store %arg8[%swap3A_345, %swap3A_346, %swap3A_347], %get3A_340 {strides = array<i32>} : memref<4x128x128xf32, #tpu.memory_space<vmem>>, vector<16xf32>,
              %get3A_349 = arith.constant 64 : index
              %get3A_350 = tpu.vector_load %arg7[%get3A_349] {strides = array<i32>} : memref<128xf32, #tpu.memory_space<vmem>>, vector<16xf32>,
              %mul3A_351 = arith.constant 16 : i32
              %mul3A_352 = arith.muli %scan3A_181, %mul3A_351 : i32
              %add3A_353 = arith.constant 4 : i32
              %add3A_354 = arith.addi %mul3A_352, %add3A_353 : i32
              %swap3A_355 = arith.index_cast %rem3A_91 : i32 to index
              %swap3A_356 = arith.index_cast %add3A_354 : i32 to index
              %swap3A_357 = arith.constant 64 : index
              %swap3A_358 = tpu.vector_load %arg8[%swap3A_355, %swap3A_356, %swap3A_357] {strides = array<i32>} : memref<4x128x128xf32, #tpu.memory_space<vmem>>, vector<16xf32>,
              tpu.vector_store %arg8[%swap3A_355, %swap3A_356, %swap3A_357], %get3A_350 {strides = array<i32>} : memref<4x128x128xf32, #tpu.memory_space<vmem>>, vector<16xf32>,
              %get3A_359 = arith.constant 80 : index
              %get3A_360 = tpu.vector_load %arg7[%get3A_359] {strides = array<i32>} : memref<128xf32, #tpu.memory_space<vmem>>, vector<16xf32>,
              %mul3A_361 = arith.constant 16 : i32
              %mul3A_362 = arith.muli %scan3A_181, %mul3A_361 : i32
              %add3A_363 = arith.constant 4 : i32
              %add3A_364 = arith.addi %mul3A_362, %add3A_363 : i32
              %swap3A_365 = arith.index_cast %rem3A_91 : i32 to index
              %swap3A_366 = arith.index_cast %add3A_364 : i32 to index
              %swap3A_367 = arith.constant 80 : index
              %swap3A_368 = tpu.vector_load %arg8[%swap3A_365, %swap3A_366, %swap3A_367] {strides = array<i32>} : memref<4x128x128xf32, #tpu.memory_space<vmem>>, vector<16xf32>,
              tpu.vector_store %arg8[%swap3A_365, %swap3A_366, %swap3A_367], %get3A_360 {strides = array<i32>} : memref<4x128x128xf32, #tpu.memory_space<vmem>>, vector<16xf32>,
              %get3A_369 = arith.constant 96 : index
              %get3A_370 = tpu.vector_load %arg7[%get3A_369] {strides = array<i32>} : memref<128xf32, #tpu.memory_space<vmem>>, vector<16xf32>,
              %mul3A_371 = arith.constant 16 : i32
              %mul3A_372 = arith.muli %scan3A_181, %mul3A_371 : i32
              %add3A_373 = arith.constant 4 : i32
              %add3A_374 = arith.addi %mul3A_372, %add3A_373 : i32
              %swap3A_375 = arith.index_cast %rem3A_91 : i32 to index
              %swap3A_376 = arith.index_cast %add3A_374 : i32 to index
              %swap3A_377 = arith.constant 96 : index
              %swap3A_378 = tpu.vector_load %arg8[%swap3A_375, %swap3A_376, %swap3A_377] {strides = array<i32>} : memref<4x128x128xf32, #tpu.memory_space<vmem>>, vector<16xf32>,
              tpu.vector_store %arg8[%swap3A_375, %swap3A_376, %swap3A_377], %get3A_370 {strides = array<i32>} : memref<4x128x128xf32, #tpu.memory_space<vmem>>, vector<16xf32>,
              %get3A_379 = arith.constant 112 : index
              %get3A_380 = tpu.vector_load %arg7[%get3A_379] {strides = array<i32>} : memref<128xf32, #tpu.memory_space<vmem>>, vector<16xf32>,
              %mul3A_381 = arith.constant 16 : i32
              %mul3A_382 = arith.muli %scan3A_181, %mul3A_381 : i32
              %add3A_383 = arith.constant 4 : i32
              %add3A_384 = arith.addi %mul3A_382, %add3A_383 : i32
              %swap3A_385 = arith.index_cast %rem3A_91 : i32 to index
              %swap3A_386 = arith.index_cast %add3A_384 : i32 to index
              %swap3A_387 = arith.constant 112 : index
              %swap3A_388 = tpu.vector_load %arg8[%swap3A_385, %swap3A_386, %swap3A_387] {strides = array<i32>} : memref<4x128x128xf32, #tpu.memory_space<vmem>>, vector<16xf32>,
              tpu.vector_store %arg8[%swap3A_385, %swap3A_386, %swap3A_387], %get3A_380 {strides = array<i32>} : memref<4x128x128xf32, #tpu.memory_space<vmem>>, vector<16xf32>,
            } else {
            }
            %slice3A_233 = vector.extract_strided_slice %get3A_186 {offsets = [5], sizes = [1], strides = [1]} : vector<16xi32> to vector<1xi32>
            %squeeze3A_234 = vector.extract %slice3A_233[0] : i32 from vector<1xi32>
            %eq3A_235 = arith.constant 99999 : i32
            %eq3A_236 = arith.cmpi eq, %squeeze3A_234, %eq3A_235 : i32
            %convert_element_type3A_237 = arith.extui %eq3A_236 : i1 to i32
            %cond3A_238 = arith.constant 0 : i32
            %cond3A_239 = arith.cmpi ne, %convert_element_type3A_237, %cond3A_238 : i32
            scf.if %cond3A_239 {
              %get3A_310 = arith.constant 0 : index
              %get3A_311 = tpu.vector_load %arg7[%get3A_310] {strides = array<i32>} : memref<128xf32, #tpu.memory_space<vmem>>, vector<16xf32>,
              %mul3A_312 = arith.constant 16 : i32
              %mul3A_313 = arith.muli %scan3A_181, %mul3A_312 : i32
              %add3A_314 = arith.constant 5 : i32
              %add3A_315 = arith.addi %mul3A_313, %add3A_314 : i32
              %swap3A = arith.index_cast %rem3A_91 : i32 to index
              %swap3A_316 = arith.index_cast %add3A_315 : i32 to index
              %swap3A_317 = arith.constant 0 : index
              %swap3A_318 = tpu.vector_load %arg8[%swap3A, %swap3A_316, %swap3A_317] {strides = array<i32>} : memref<4x128x128xf32, #tpu.memory_space<vmem>>, vector<16xf32>,
              tpu.vector_store %arg8[%swap3A, %swap3A_316, %swap3A_317], %get3A_311 {strides = array<i32>} : memref<4x128x128xf32, #tpu.memory_space<vmem>>, vector<16xf32>,
              %get3A_319 = arith.constant 16 : index
              %get3A_320 = tpu.vector_load %arg7[%get3A_319] {strides = array<i32>} : memref<128xf32, #tpu.memory_space<vmem>>, vector<16xf32>,
              %mul3A_321 = arith.constant 16 : i32
              %mul3A_322 = arith.muli %scan3A_181, %mul3A_321 : i32
              %add3A_323 = arith.constant 5 : i32
              %add3A_324 = arith.addi %mul3A_322, %add3A_323 : i32
              %swap3A_325 = arith.index_cast %rem3A_91 : i32 to index
              %swap3A_326 = arith.index_cast %add3A_324 : i32 to index
              %swap3A_327 = arith.constant 16 : index
              %swap3A_328 = tpu.vector_load %arg8[%swap3A_325, %swap3A_326, %swap3A_327] {strides = array<i32>} : memref<4x128x128xf32, #tpu.memory_space<vmem>>, vector<16xf32>,
              tpu.vector_store %arg8[%swap3A_325, %swap3A_326, %swap3A_327], %get3A_320 {strides = array<i32>} : memref<4x128x128xf32, #tpu.memory_space<vmem>>, vector<16xf32>,
              %get3A_329 = arith.constant 32 : index
              %get3A_330 = tpu.vector_load %arg7[%get3A_329] {strides = array<i32>} : memref<128xf32, #tpu.memory_space<vmem>>, vector<16xf32>,
              %mul3A_331 = arith.constant 16 : i32
              %mul3A_332 = arith.muli %scan3A_181, %mul3A_331 : i32
              %add3A_333 = arith.constant 5 : i32
              %add3A_334 = arith.addi %mul3A_332, %add3A_333 : i32
              %swap3A_335 = arith.index_cast %rem3A_91 : i32 to index
              %swap3A_336 = arith.index_cast %add3A_334 : i32 to index
              %swap3A_337 = arith.constant 32 : index
              %swap3A_338 = tpu.vector_load %arg8[%swap3A_335, %swap3A_336, %swap3A_337] {strides = array<i32>} : memref<4x128x128xf32, #tpu.memory_space<vmem>>, vector<16xf32>,
              tpu.vector_store %arg8[%swap3A_335, %swap3A_336, %swap3A_337], %get3A_330 {strides = array<i32>} : memref<4x128x128xf32, #tpu.memory_space<vmem>>, vector<16xf32>,
              %get3A_339 = arith.constant 48 : index
              %get3A_340 = tpu.vector_load %arg7[%get3A_339] {strides = array<i32>} : memref<128xf32, #tpu.memory_space<vmem>>, vector<16xf32>,
              %mul3A_341 = arith.constant 16 : i32
              %mul3A_342 = arith.muli %scan3A_181, %mul3A_341 : i32
              %add3A_343 = arith.constant 5 : i32
              %add3A_344 = arith.addi %mul3A_342, %add3A_343 : i32
              %swap3A_345 = arith.index_cast %rem3A_91 : i32 to index
              %swap3A_346 = arith.index_cast %add3A_344 : i32 to index
              %swap3A_347 = arith.constant 48 : index
              %swap3A_348 = tpu.vector_load %arg8[%swap3A_345, %swap3A_346, %swap3A_347] {strides = array<i32>} : memref<4x128x128xf32, #tpu.memory_space<vmem>>, vector<16xf32>,
              tpu.vector_store %arg8[%swap3A_345, %swap3A_346, %swap3A_347], %get3A_340 {strides = array<i32>} : memref<4x128x128xf32, #tpu.memory_space<vmem>>, vector<16xf32>,
              %get3A_349 = arith.constant 64 : index
              %get3A_350 = tpu.vector_load %arg7[%get3A_349] {strides = array<i32>} : memref<128xf32, #tpu.memory_space<vmem>>, vector<16xf32>,
              %mul3A_351 = arith.constant 16 : i32
              %mul3A_352 = arith.muli %scan3A_181, %mul3A_351 : i32
              %add3A_353 = arith.constant 5 : i32
              %add3A_354 = arith.addi %mul3A_352, %add3A_353 : i32
              %swap3A_355 = arith.index_cast %rem3A_91 : i32 to index
              %swap3A_356 = arith.index_cast %add3A_354 : i32 to index
              %swap3A_357 = arith.constant 64 : index
              %swap3A_358 = tpu.vector_load %arg8[%swap3A_355, %swap3A_356, %swap3A_357] {strides = array<i32>} : memref<4x128x128xf32, #tpu.memory_space<vmem>>, vector<16xf32>,
              tpu.vector_store %arg8[%swap3A_355, %swap3A_356, %swap3A_357], %get3A_350 {strides = array<i32>} : memref<4x128x128xf32, #tpu.memory_space<vmem>>, vector<16xf32>,
              %get3A_359 = arith.constant 80 : index
              %get3A_360 = tpu.vector_load %arg7[%get3A_359] {strides = array<i32>} : memref<128xf32, #tpu.memory_space<vmem>>, vector<16xf32>,
              %mul3A_361 = arith.constant 16 : i32
              %mul3A_362 = arith.muli %scan3A_181, %mul3A_361 : i32
              %add3A_363 = arith.constant 5 : i32
              %add3A_364 = arith.addi %mul3A_362, %add3A_363 : i32
              %swap3A_365 = arith.index_cast %rem3A_91 : i32 to index
              %swap3A_366 = arith.index_cast %add3A_364 : i32 to index
              %swap3A_367 = arith.constant 80 : index
              %swap3A_368 = tpu.vector_load %arg8[%swap3A_365, %swap3A_366, %swap3A_367] {strides = array<i32>} : memref<4x128x128xf32, #tpu.memory_space<vmem>>, vector<16xf32>,
              tpu.vector_store %arg8[%swap3A_365, %swap3A_366, %swap3A_367], %get3A_360 {strides = array<i32>} : memref<4x128x128xf32, #tpu.memory_space<vmem>>, vector<16xf32>,
              %get3A_369 = arith.constant 96 : index
              %get3A_370 = tpu.vector_load %arg7[%get3A_369] {strides = array<i32>} : memref<128xf32, #tpu.memory_space<vmem>>, vector<16xf32>,
              %mul3A_371 = arith.constant 16 : i32
              %mul3A_372 = arith.muli %scan3A_181, %mul3A_371 : i32
              %add3A_373 = arith.constant 5 : i32
              %add3A_374 = arith.addi %mul3A_372, %add3A_373 : i32
              %swap3A_375 = arith.index_cast %rem3A_91 : i32 to index
              %swap3A_376 = arith.index_cast %add3A_374 : i32 to index
              %swap3A_377 = arith.constant 96 : index
              %swap3A_378 = tpu.vector_load %arg8[%swap3A_375, %swap3A_376, %swap3A_377] {strides = array<i32>} : memref<4x128x128xf32, #tpu.memory_space<vmem>>, vector<16xf32>,
              tpu.vector_store %arg8[%swap3A_375, %swap3A_376, %swap3A_377], %get3A_370 {strides = array<i32>} : memref<4x128x128xf32, #tpu.memory_space<vmem>>, vector<16xf32>,
              %get3A_379 = arith.constant 112 : index
              %get3A_380 = tpu.vector_load %arg7[%get3A_379] {strides = array<i32>} : memref<128xf32, #tpu.memory_space<vmem>>, vector<16xf32>,
              %mul3A_381 = arith.constant 16 : i32
              %mul3A_382 = arith.muli %scan3A_181, %mul3A_381 : i32
              %add3A_383 = arith.constant 5 : i32
              %add3A_384 = arith.addi %mul3A_382, %add3A_383 : i32
              %swap3A_385 = arith.index_cast %rem3A_91 : i32 to index
              %swap3A_386 = arith.index_cast %add3A_384 : i32 to index
              %swap3A_387 = arith.constant 112 : index
              %swap3A_388 = tpu.vector_load %arg8[%swap3A_385, %swap3A_386, %swap3A_387] {strides = array<i32>} : memref<4x128x128xf32, #tpu.memory_space<vmem>>, vector<16xf32>,
              tpu.vector_store %arg8[%swap3A_385, %swap3A_386, %swap3A_387], %get3A_380 {strides = array<i32>} : memref<4x128x128xf32, #tpu.memory_space<vmem>>, vector<16xf32>,
            } else {
            }
            %slice3A_240 = vector.extract_strided_slice %get3A_186 {offsets = [6], sizes = [1], strides = [1]} : vector<16xi32> to vector<1xi32>
            %squeeze3A_241 = vector.extract %slice3A_240[0] : i32 from vector<1xi32>
            %eq3A_242 = arith.constant 99999 : i32
            %eq3A_243 = arith.cmpi eq, %squeeze3A_241, %eq3A_242 : i32
            %convert_element_type3A_244 = arith.extui %eq3A_243 : i1 to i32
            %cond3A_245 = arith.constant 0 : i32
            %cond3A_246 = arith.cmpi ne, %convert_element_type3A_244, %cond3A_245 : i32
            scf.if %cond3A_246 {
              %get3A_310 = arith.constant 0 : index
              %get3A_311 = tpu.vector_load %arg7[%get3A_310] {strides = array<i32>} : memref<128xf32, #tpu.memory_space<vmem>>, vector<16xf32>,
              %mul3A_312 = arith.constant 16 : i32
              %mul3A_313 = arith.muli %scan3A_181, %mul3A_312 : i32
              %add3A_314 = arith.constant 6 : i32
              %add3A_315 = arith.addi %mul3A_313, %add3A_314 : i32
              %swap3A = arith.index_cast %rem3A_91 : i32 to index
              %swap3A_316 = arith.index_cast %add3A_315 : i32 to index
              %swap3A_317 = arith.constant 0 : index
              %swap3A_318 = tpu.vector_load %arg8[%swap3A, %swap3A_316, %swap3A_317] {strides = array<i32>} : memref<4x128x128xf32, #tpu.memory_space<vmem>>, vector<16xf32>,
              tpu.vector_store %arg8[%swap3A, %swap3A_316, %swap3A_317], %get3A_311 {strides = array<i32>} : memref<4x128x128xf32, #tpu.memory_space<vmem>>, vector<16xf32>,
              %get3A_319 = arith.constant 16 : index
              %get3A_320 = tpu.vector_load %arg7[%get3A_319] {strides = array<i32>} : memref<128xf32, #tpu.memory_space<vmem>>, vector<16xf32>,
              %mul3A_321 = arith.constant 16 : i32
              %mul3A_322 = arith.muli %scan3A_181, %mul3A_321 : i32
              %add3A_323 = arith.constant 6 : i32
              %add3A_324 = arith.addi %mul3A_322, %add3A_323 : i32
              %swap3A_325 = arith.index_cast %rem3A_91 : i32 to index
              %swap3A_326 = arith.index_cast %add3A_324 : i32 to index
              %swap3A_327 = arith.constant 16 : index
              %swap3A_328 = tpu.vector_load %arg8[%swap3A_325, %swap3A_326, %swap3A_327] {strides = array<i32>} : memref<4x128x128xf32, #tpu.memory_space<vmem>>, vector<16xf32>,
              tpu.vector_store %arg8[%swap3A_325, %swap3A_326, %swap3A_327], %get3A_320 {strides = array<i32>} : memref<4x128x128xf32, #tpu.memory_space<vmem>>, vector<16xf32>,
              %get3A_329 = arith.constant 32 : index
              %get3A_330 = tpu.vector_load %arg7[%get3A_329] {strides = array<i32>} : memref<128xf32, #tpu.memory_space<vmem>>, vector<16xf32>,
              %mul3A_331 = arith.constant 16 : i32
              %mul3A_332 = arith.muli %scan3A_181, %mul3A_331 : i32
              %add3A_333 = arith.constant 6 : i32
              %add3A_334 = arith.addi %mul3A_332, %add3A_333 : i32
              %swap3A_335 = arith.index_cast %rem3A_91 : i32 to index
              %swap3A_336 = arith.index_cast %add3A_334 : i32 to index
              %swap3A_337 = arith.constant 32 : index
              %swap3A_338 = tpu.vector_load %arg8[%swap3A_335, %swap3A_336, %swap3A_337] {strides = array<i32>} : memref<4x128x128xf32, #tpu.memory_space<vmem>>, vector<16xf32>,
              tpu.vector_store %arg8[%swap3A_335, %swap3A_336, %swap3A_337], %get3A_330 {strides = array<i32>} : memref<4x128x128xf32, #tpu.memory_space<vmem>>, vector<16xf32>,
              %get3A_339 = arith.constant 48 : index
              %get3A_340 = tpu.vector_load %arg7[%get3A_339] {strides = array<i32>} : memref<128xf32, #tpu.memory_space<vmem>>, vector<16xf32>,
              %mul3A_341 = arith.constant 16 : i32
              %mul3A_342 = arith.muli %scan3A_181, %mul3A_341 : i32
              %add3A_343 = arith.constant 6 : i32
              %add3A_344 = arith.addi %mul3A_342, %add3A_343 : i32
              %swap3A_345 = arith.index_cast %rem3A_91 : i32 to index
              %swap3A_346 = arith.index_cast %add3A_344 : i32 to index
              %swap3A_347 = arith.constant 48 : index
              %swap3A_348 = tpu.vector_load %arg8[%swap3A_345, %swap3A_346, %swap3A_347] {strides = array<i32>} : memref<4x128x128xf32, #tpu.memory_space<vmem>>, vector<16xf32>,
              tpu.vector_store %arg8[%swap3A_345, %swap3A_346, %swap3A_347], %get3A_340 {strides = array<i32>} : memref<4x128x128xf32, #tpu.memory_space<vmem>>, vector<16xf32>,
              %get3A_349 = arith.constant 64 : index
              %get3A_350 = tpu.vector_load %arg7[%get3A_349] {strides = array<i32>} : memref<128xf32, #tpu.memory_space<vmem>>, vector<16xf32>,
              %mul3A_351 = arith.constant 16 : i32
              %mul3A_352 = arith.muli %scan3A_181, %mul3A_351 : i32
              %add3A_353 = arith.constant 6 : i32
              %add3A_354 = arith.addi %mul3A_352, %add3A_353 : i32
              %swap3A_355 = arith.index_cast %rem3A_91 : i32 to index
              %swap3A_356 = arith.index_cast %add3A_354 : i32 to index
              %swap3A_357 = arith.constant 64 : index
              %swap3A_358 = tpu.vector_load %arg8[%swap3A_355, %swap3A_356, %swap3A_357] {strides = array<i32>} : memref<4x128x128xf32, #tpu.memory_space<vmem>>, vector<16xf32>,
              tpu.vector_store %arg8[%swap3A_355, %swap3A_356, %swap3A_357], %get3A_350 {strides = array<i32>} : memref<4x128x128xf32, #tpu.memory_space<vmem>>, vector<16xf32>,
              %get3A_359 = arith.constant 80 : index
              %get3A_360 = tpu.vector_load %arg7[%get3A_359] {strides = array<i32>} : memref<128xf32, #tpu.memory_space<vmem>>, vector<16xf32>,
              %mul3A_361 = arith.constant 16 : i32
              %mul3A_362 = arith.muli %scan3A_181, %mul3A_361 : i32
              %add3A_363 = arith.constant 6 : i32
              %add3A_364 = arith.addi %mul3A_362, %add3A_363 : i32
              %swap3A_365 = arith.index_cast %rem3A_91 : i32 to index
              %swap3A_366 = arith.index_cast %add3A_364 : i32 to index
              %swap3A_367 = arith.constant 80 : index
              %swap3A_368 = tpu.vector_load %arg8[%swap3A_365, %swap3A_366, %swap3A_367] {strides = array<i32>} : memref<4x128x128xf32, #tpu.memory_space<vmem>>, vector<16xf32>,
              tpu.vector_store %arg8[%swap3A_365, %swap3A_366, %swap3A_367], %get3A_360 {strides = array<i32>} : memref<4x128x128xf32, #tpu.memory_space<vmem>>, vector<16xf32>,
              %get3A_369 = arith.constant 96 : index
              %get3A_370 = tpu.vector_load %arg7[%get3A_369] {strides = array<i32>} : memref<128xf32, #tpu.memory_space<vmem>>, vector<16xf32>,
              %mul3A_371 = arith.constant 16 : i32
              %mul3A_372 = arith.muli %scan3A_181, %mul3A_371 : i32
              %add3A_373 = arith.constant 6 : i32
              %add3A_374 = arith.addi %mul3A_372, %add3A_373 : i32
              %swap3A_375 = arith.index_cast %rem3A_91 : i32 to index
              %swap3A_376 = arith.index_cast %add3A_374 : i32 to index
              %swap3A_377 = arith.constant 96 : index
              %swap3A_378 = tpu.vector_load %arg8[%swap3A_375, %swap3A_376, %swap3A_377] {strides = array<i32>} : memref<4x128x128xf32, #tpu.memory_space<vmem>>, vector<16xf32>,
              tpu.vector_store %arg8[%swap3A_375, %swap3A_376, %swap3A_377], %get3A_370 {strides = array<i32>} : memref<4x128x128xf32, #tpu.memory_space<vmem>>, vector<16xf32>,
              %get3A_379 = arith.constant 112 : index
              %get3A_380 = tpu.vector_load %arg7[%get3A_379] {strides = array<i32>} : memref<128xf32, #tpu.memory_space<vmem>>, vector<16xf32>,
              %mul3A_381 = arith.constant 16 : i32
              %mul3A_382 = arith.muli %scan3A_181, %mul3A_381 : i32
              %add3A_383 = arith.constant 6 : i32
              %add3A_384 = arith.addi %mul3A_382, %add3A_383 : i32
              %swap3A_385 = arith.index_cast %rem3A_91 : i32 to index
              %swap3A_386 = arith.index_cast %add3A_384 : i32 to index
              %swap3A_387 = arith.constant 112 : index
              %swap3A_388 = tpu.vector_load %arg8[%swap3A_385, %swap3A_386, %swap3A_387] {strides = array<i32>} : memref<4x128x128xf32, #tpu.memory_space<vmem>>, vector<16xf32>,
              tpu.vector_store %arg8[%swap3A_385, %swap3A_386, %swap3A_387], %get3A_380 {strides = array<i32>} : memref<4x128x128xf32, #tpu.memory_space<vmem>>, vector<16xf32>,
            } else {
            }
            %slice3A_247 = vector.extract_strided_slice %get3A_186 {offsets = [7], sizes = [1], strides = [1]} : vector<16xi32> to vector<1xi32>
            %squeeze3A_248 = vector.extract %slice3A_247[0] : i32 from vector<1xi32>
            %eq3A_249 = arith.constant 99999 : i32
            %eq3A_250 = arith.cmpi eq, %squeeze3A_248, %eq3A_249 : i32
            %convert_element_type3A_251 = arith.extui %eq3A_250 : i1 to i32
            %cond3A_252 = arith.constant 0 : i32
            %cond3A_253 = arith.cmpi ne, %convert_element_type3A_251, %cond3A_252 : i32
            scf.if %cond3A_253 {
              %get3A_310 = arith.constant 0 : index
              %get3A_311 = tpu.vector_load %arg7[%get3A_310] {strides = array<i32>} : memref<128xf32, #tpu.memory_space<vmem>>, vector<16xf32>,
              %mul3A_312 = arith.constant 16 : i32
              %mul3A_313 = arith.muli %scan3A_181, %mul3A_312 : i32
              %add3A_314 = arith.constant 7 : i32
              %add3A_315 = arith.addi %mul3A_313, %add3A_314 : i32
              %swap3A = arith.index_cast %rem3A_91 : i32 to index
              %swap3A_316 = arith.index_cast %add3A_315 : i32 to index
              %swap3A_317 = arith.constant 0 : index
              %swap3A_318 = tpu.vector_load %arg8[%swap3A, %swap3A_316, %swap3A_317] {strides = array<i32>} : memref<4x128x128xf32, #tpu.memory_space<vmem>>, vector<16xf32>,
              tpu.vector_store %arg8[%swap3A, %swap3A_316, %swap3A_317], %get3A_311 {strides = array<i32>} : memref<4x128x128xf32, #tpu.memory_space<vmem>>, vector<16xf32>,
              %get3A_319 = arith.constant 16 : index
              %get3A_320 = tpu.vector_load %arg7[%get3A_319] {strides = array<i32>} : memref<128xf32, #tpu.memory_space<vmem>>, vector<16xf32>,
              %mul3A_321 = arith.constant 16 : i32
              %mul3A_322 = arith.muli %scan3A_181, %mul3A_321 : i32
              %add3A_323 = arith.constant 7 : i32
              %add3A_324 = arith.addi %mul3A_322, %add3A_323 : i32
              %swap3A_325 = arith.index_cast %rem3A_91 : i32 to index
              %swap3A_326 = arith.index_cast %add3A_324 : i32 to index
              %swap3A_327 = arith.constant 16 : index
              %swap3A_328 = tpu.vector_load %arg8[%swap3A_325, %swap3A_326, %swap3A_327] {strides = array<i32>} : memref<4x128x128xf32, #tpu.memory_space<vmem>>, vector<16xf32>,
              tpu.vector_store %arg8[%swap3A_325, %swap3A_326, %swap3A_327], %get3A_320 {strides = array<i32>} : memref<4x128x128xf32, #tpu.memory_space<vmem>>, vector<16xf32>,
              %get3A_329 = arith.constant 32 : index
              %get3A_330 = tpu.vector_load %arg7[%get3A_329] {strides = array<i32>} : memref<128xf32, #tpu.memory_space<vmem>>, vector<16xf32>,
              %mul3A_331 = arith.constant 16 : i32
              %mul3A_332 = arith.muli %scan3A_181, %mul3A_331 : i32
              %add3A_333 = arith.constant 7 : i32
              %add3A_334 = arith.addi %mul3A_332, %add3A_333 : i32
              %swap3A_335 = arith.index_cast %rem3A_91 : i32 to index
              %swap3A_336 = arith.index_cast %add3A_334 : i32 to index
              %swap3A_337 = arith.constant 32 : index
              %swap3A_338 = tpu.vector_load %arg8[%swap3A_335, %swap3A_336, %swap3A_337] {strides = array<i32>} : memref<4x128x128xf32, #tpu.memory_space<vmem>>, vector<16xf32>,
              tpu.vector_store %arg8[%swap3A_335, %swap3A_336, %swap3A_337], %get3A_330 {strides = array<i32>} : memref<4x128x128xf32, #tpu.memory_space<vmem>>, vector<16xf32>,
              %get3A_339 = arith.constant 48 : index
              %get3A_340 = tpu.vector_load %arg7[%get3A_339] {strides = array<i32>} : memref<128xf32, #tpu.memory_space<vmem>>, vector<16xf32>,
              %mul3A_341 = arith.constant 16 : i32
              %mul3A_342 = arith.muli %scan3A_181, %mul3A_341 : i32
              %add3A_343 = arith.constant 7 : i32
              %add3A_344 = arith.addi %mul3A_342, %add3A_343 : i32
              %swap3A_345 = arith.index_cast %rem3A_91 : i32 to index
              %swap3A_346 = arith.index_cast %add3A_344 : i32 to index
              %swap3A_347 = arith.constant 48 : index
              %swap3A_348 = tpu.vector_load %arg8[%swap3A_345, %swap3A_346, %swap3A_347] {strides = array<i32>} : memref<4x128x128xf32, #tpu.memory_space<vmem>>, vector<16xf32>,
              tpu.vector_store %arg8[%swap3A_345, %swap3A_346, %swap3A_347], %get3A_340 {strides = array<i32>} : memref<4x128x128xf32, #tpu.memory_space<vmem>>, vector<16xf32>,
              %get3A_349 = arith.constant 64 : index
              %get3A_350 = tpu.vector_load %arg7[%get3A_349] {strides = array<i32>} : memref<128xf32, #tpu.memory_space<vmem>>, vector<16xf32>,
              %mul3A_351 = arith.constant 16 : i32
              %mul3A_352 = arith.muli %scan3A_181, %mul3A_351 : i32
              %add3A_353 = arith.constant 7 : i32
              %add3A_354 = arith.addi %mul3A_352, %add3A_353 : i32
              %swap3A_355 = arith.index_cast %rem3A_91 : i32 to index
              %swap3A_356 = arith.index_cast %add3A_354 : i32 to index
              %swap3A_357 = arith.constant 64 : index
              %swap3A_358 = tpu.vector_load %arg8[%swap3A_355, %swap3A_356, %swap3A_357] {strides = array<i32>} : memref<4x128x128xf32, #tpu.memory_space<vmem>>, vector<16xf32>,
              tpu.vector_store %arg8[%swap3A_355, %swap3A_356, %swap3A_357], %get3A_350 {strides = array<i32>} : memref<4x128x128xf32, #tpu.memory_space<vmem>>, vector<16xf32>,
              %get3A_359 = arith.constant 80 : index
              %get3A_360 = tpu.vector_load %arg7[%get3A_359] {strides = array<i32>} : memref<128xf32, #tpu.memory_space<vmem>>, vector<16xf32>,
              %mul3A_361 = arith.constant 16 : i32
              %mul3A_362 = arith.muli %scan3A_181, %mul3A_361 : i32
              %add3A_363 = arith.constant 7 : i32
              %add3A_364 = arith.addi %mul3A_362, %add3A_363 : i32
              %swap3A_365 = arith.index_cast %rem3A_91 : i32 to index
              %swap3A_366 = arith.index_cast %add3A_364 : i32 to index
              %swap3A_367 = arith.constant 80 : index
              %swap3A_368 = tpu.vector_load %arg8[%swap3A_365, %swap3A_366, %swap3A_367] {strides = array<i32>} : memref<4x128x128xf32, #tpu.memory_space<vmem>>, vector<16xf32>,
              tpu.vector_store %arg8[%swap3A_365, %swap3A_366, %swap3A_367], %get3A_360 {strides = array<i32>} : memref<4x128x128xf32, #tpu.memory_space<vmem>>, vector<16xf32>,
              %get3A_369 = arith.constant 96 : index
              %get3A_370 = tpu.vector_load %arg7[%get3A_369] {strides = array<i32>} : memref<128xf32, #tpu.memory_space<vmem>>, vector<16xf32>,
              %mul3A_371 = arith.constant 16 : i32
              %mul3A_372 = arith.muli %scan3A_181, %mul3A_371 : i32
              %add3A_373 = arith.constant 7 : i32
              %add3A_374 = arith.addi %mul3A_372, %add3A_373 : i32
              %swap3A_375 = arith.index_cast %rem3A_91 : i32 to index
              %swap3A_376 = arith.index_cast %add3A_374 : i32 to index
              %swap3A_377 = arith.constant 96 : index
              %swap3A_378 = tpu.vector_load %arg8[%swap3A_375, %swap3A_376, %swap3A_377] {strides = array<i32>} : memref<4x128x128xf32, #tpu.memory_space<vmem>>, vector<16xf32>,
              tpu.vector_store %arg8[%swap3A_375, %swap3A_376, %swap3A_377], %get3A_370 {strides = array<i32>} : memref<4x128x128xf32, #tpu.memory_space<vmem>>, vector<16xf32>,
              %get3A_379 = arith.constant 112 : index
              %get3A_380 = tpu.vector_load %arg7[%get3A_379] {strides = array<i32>} : memref<128xf32, #tpu.memory_space<vmem>>, vector<16xf32>,
              %mul3A_381 = arith.constant 16 : i32
              %mul3A_382 = arith.muli %scan3A_181, %mul3A_381 : i32
              %add3A_383 = arith.constant 7 : i32
              %add3A_384 = arith.addi %mul3A_382, %add3A_383 : i32
              %swap3A_385 = arith.index_cast %rem3A_91 : i32 to index
              %swap3A_386 = arith.index_cast %add3A_384 : i32 to index
              %swap3A_387 = arith.constant 112 : index
              %swap3A_388 = tpu.vector_load %arg8[%swap3A_385, %swap3A_386, %swap3A_387] {strides = array<i32>} : memref<4x128x128xf32, #tpu.memory_space<vmem>>, vector<16xf32>,
              tpu.vector_store %arg8[%swap3A_385, %swap3A_386, %swap3A_387], %get3A_380 {strides = array<i32>} : memref<4x128x128xf32, #tpu.memory_space<vmem>>, vector<16xf32>,
            } else {
            }
            %slice3A_254 = vector.extract_strided_slice %get3A_186 {offsets = [8], sizes = [1], strides = [1]} : vector<16xi32> to vector<1xi32>
            %squeeze3A_255 = vector.extract %slice3A_254[0] : i32 from vector<1xi32>
            %eq3A_256 = arith.constant 99999 : i32
            %eq3A_257 = arith.cmpi eq, %squeeze3A_255, %eq3A_256 : i32
            %convert_element_type3A_258 = arith.extui %eq3A_257 : i1 to i32
            %cond3A_259 = arith.constant 0 : i32
            %cond3A_260 = arith.cmpi ne, %convert_element_type3A_258, %cond3A_259 : i32
            scf.if %cond3A_260 {
              %get3A_310 = arith.constant 0 : index
              %get3A_311 = tpu.vector_load %arg7[%get3A_310] {strides = array<i32>} : memref<128xf32, #tpu.memory_space<vmem>>, vector<16xf32>,
              %mul3A_312 = arith.constant 16 : i32
              %mul3A_313 = arith.muli %scan3A_181, %mul3A_312 : i32
              %add3A_314 = arith.constant 8 : i32
              %add3A_315 = arith.addi %mul3A_313, %add3A_314 : i32
              %swap3A = arith.index_cast %rem3A_91 : i32 to index
              %swap3A_316 = arith.index_cast %add3A_315 : i32 to index
              %swap3A_317 = arith.constant 0 : index
              %swap3A_318 = tpu.vector_load %arg8[%swap3A, %swap3A_316, %swap3A_317] {strides = array<i32>} : memref<4x128x128xf32, #tpu.memory_space<vmem>>, vector<16xf32>,
              tpu.vector_store %arg8[%swap3A, %swap3A_316, %swap3A_317], %get3A_311 {strides = array<i32>} : memref<4x128x128xf32, #tpu.memory_space<vmem>>, vector<16xf32>,
              %get3A_319 = arith.constant 16 : index
              %get3A_320 = tpu.vector_load %arg7[%get3A_319] {strides = array<i32>} : memref<128xf32, #tpu.memory_space<vmem>>, vector<16xf32>,
              %mul3A_321 = arith.constant 16 : i32
              %mul3A_322 = arith.muli %scan3A_181, %mul3A_321 : i32
              %add3A_323 = arith.constant 8 : i32
              %add3A_324 = arith.addi %mul3A_322, %add3A_323 : i32
              %swap3A_325 = arith.index_cast %rem3A_91 : i32 to index
              %swap3A_326 = arith.index_cast %add3A_324 : i32 to index
              %swap3A_327 = arith.constant 16 : index
              %swap3A_328 = tpu.vector_load %arg8[%swap3A_325, %swap3A_326, %swap3A_327] {strides = array<i32>} : memref<4x128x128xf32, #tpu.memory_space<vmem>>, vector<16xf32>,
              tpu.vector_store %arg8[%swap3A_325, %swap3A_326, %swap3A_327], %get3A_320 {strides = array<i32>} : memref<4x128x128xf32, #tpu.memory_space<vmem>>, vector<16xf32>,
              %get3A_329 = arith.constant 32 : index
              %get3A_330 = tpu.vector_load %arg7[%get3A_329] {strides = array<i32>} : memref<128xf32, #tpu.memory_space<vmem>>, vector<16xf32>,
              %mul3A_331 = arith.constant 16 : i32
              %mul3A_332 = arith.muli %scan3A_181, %mul3A_331 : i32
              %add3A_333 = arith.constant 8 : i32
              %add3A_334 = arith.addi %mul3A_332, %add3A_333 : i32
              %swap3A_335 = arith.index_cast %rem3A_91 : i32 to index
              %swap3A_336 = arith.index_cast %add3A_334 : i32 to index
              %swap3A_337 = arith.constant 32 : index
              %swap3A_338 = tpu.vector_load %arg8[%swap3A_335, %swap3A_336, %swap3A_337] {strides = array<i32>} : memref<4x128x128xf32, #tpu.memory_space<vmem>>, vector<16xf32>,
              tpu.vector_store %arg8[%swap3A_335, %swap3A_336, %swap3A_337], %get3A_330 {strides = array<i32>} : memref<4x128x128xf32, #tpu.memory_space<vmem>>, vector<16xf32>,
              %get3A_339 = arith.constant 48 : index
              %get3A_340 = tpu.vector_load %arg7[%get3A_339] {strides = array<i32>} : memref<128xf32, #tpu.memory_space<vmem>>, vector<16xf32>,
              %mul3A_341 = arith.constant 16 : i32
              %mul3A_342 = arith.muli %scan3A_181, %mul3A_341 : i32
              %add3A_343 = arith.constant 8 : i32
              %add3A_344 = arith.addi %mul3A_342, %add3A_343 : i32
              %swap3A_345 = arith.index_cast %rem3A_91 : i32 to index
              %swap3A_346 = arith.index_cast %add3A_344 : i32 to index
              %swap3A_347 = arith.constant 48 : index
              %swap3A_348 = tpu.vector_load %arg8[%swap3A_345, %swap3A_346, %swap3A_347] {strides = array<i32>} : memref<4x128x128xf32, #tpu.memory_space<vmem>>, vector<16xf32>,
              tpu.vector_store %arg8[%swap3A_345, %swap3A_346, %swap3A_347], %get3A_340 {strides = array<i32>} : memref<4x128x128xf32, #tpu.memory_space<vmem>>, vector<16xf32>,
              %get3A_349 = arith.constant 64 : index
              %get3A_350 = tpu.vector_load %arg7[%get3A_349] {strides = array<i32>} : memref<128xf32, #tpu.memory_space<vmem>>, vector<16xf32>,
              %mul3A_351 = arith.constant 16 : i32
              %mul3A_352 = arith.muli %scan3A_181, %mul3A_351 : i32
              %add3A_353 = arith.constant 8 : i32
              %add3A_354 = arith.addi %mul3A_352, %add3A_353 : i32
              %swap3A_355 = arith.index_cast %rem3A_91 : i32 to index
              %swap3A_356 = arith.index_cast %add3A_354 : i32 to index
              %swap3A_357 = arith.constant 64 : index
              %swap3A_358 = tpu.vector_load %arg8[%swap3A_355, %swap3A_356, %swap3A_357] {strides = array<i32>} : memref<4x128x128xf32, #tpu.memory_space<vmem>>, vector<16xf32>,
              tpu.vector_store %arg8[%swap3A_355, %swap3A_356, %swap3A_357], %get3A_350 {strides = array<i32>} : memref<4x128x128xf32, #tpu.memory_space<vmem>>, vector<16xf32>,
              %get3A_359 = arith.constant 80 : index
              %get3A_360 = tpu.vector_load %arg7[%get3A_359] {strides = array<i32>} : memref<128xf32, #tpu.memory_space<vmem>>, vector<16xf32>,
              %mul3A_361 = arith.constant 16 : i32
              %mul3A_362 = arith.muli %scan3A_181, %mul3A_361 : i32
              %add3A_363 = arith.constant 8 : i32
              %add3A_364 = arith.addi %mul3A_362, %add3A_363 : i32
              %swap3A_365 = arith.index_cast %rem3A_91 : i32 to index
              %swap3A_366 = arith.index_cast %add3A_364 : i32 to index
              %swap3A_367 = arith.constant 80 : index
              %swap3A_368 = tpu.vector_load %arg8[%swap3A_365, %swap3A_366, %swap3A_367] {strides = array<i32>} : memref<4x128x128xf32, #tpu.memory_space<vmem>>, vector<16xf32>,
              tpu.vector_store %arg8[%swap3A_365, %swap3A_366, %swap3A_367], %get3A_360 {strides = array<i32>} : memref<4x128x128xf32, #tpu.memory_space<vmem>>, vector<16xf32>,
              %get3A_369 = arith.constant 96 : index
              %get3A_370 = tpu.vector_load %arg7[%get3A_369] {strides = array<i32>} : memref<128xf32, #tpu.memory_space<vmem>>, vector<16xf32>,
              %mul3A_371 = arith.constant 16 : i32
              %mul3A_372 = arith.muli %scan3A_181, %mul3A_371 : i32
              %add3A_373 = arith.constant 8 : i32
              %add3A_374 = arith.addi %mul3A_372, %add3A_373 : i32
              %swap3A_375 = arith.index_cast %rem3A_91 : i32 to index
              %swap3A_376 = arith.index_cast %add3A_374 : i32 to index
              %swap3A_377 = arith.constant 96 : index
              %swap3A_378 = tpu.vector_load %arg8[%swap3A_375, %swap3A_376, %swap3A_377] {strides = array<i32>} : memref<4x128x128xf32, #tpu.memory_space<vmem>>, vector<16xf32>,
              tpu.vector_store %arg8[%swap3A_375, %swap3A_376, %swap3A_377], %get3A_370 {strides = array<i32>} : memref<4x128x128xf32, #tpu.memory_space<vmem>>, vector<16xf32>,
              %get3A_379 = arith.constant 112 : index
              %get3A_380 = tpu.vector_load %arg7[%get3A_379] {strides = array<i32>} : memref<128xf32, #tpu.memory_space<vmem>>, vector<16xf32>,
              %mul3A_381 = arith.constant 16 : i32
              %mul3A_382 = arith.muli %scan3A_181, %mul3A_381 : i32
              %add3A_383 = arith.constant 8 : i32
              %add3A_384 = arith.addi %mul3A_382, %add3A_383 : i32
              %swap3A_385 = arith.index_cast %rem3A_91 : i32 to index
              %swap3A_386 = arith.index_cast %add3A_384 : i32 to index
              %swap3A_387 = arith.constant 112 : index
              %swap3A_388 = tpu.vector_load %arg8[%swap3A_385, %swap3A_386, %swap3A_387] {strides = array<i32>} : memref<4x128x128xf32, #tpu.memory_space<vmem>>, vector<16xf32>,
              tpu.vector_store %arg8[%swap3A_385, %swap3A_386, %swap3A_387], %get3A_380 {strides = array<i32>} : memref<4x128x128xf32, #tpu.memory_space<vmem>>, vector<16xf32>,
            } else {
            }
            %slice3A_261 = vector.extract_strided_slice %get3A_186 {offsets = [9], sizes = [1], strides = [1]} : vector<16xi32> to vector<1xi32>
            %squeeze3A_262 = vector.extract %slice3A_261[0] : i32 from vector<1xi32>
            %eq3A_263 = arith.constant 99999 : i32
            %eq3A_264 = arith.cmpi eq, %squeeze3A_262, %eq3A_263 : i32
            %convert_element_type3A_265 = arith.extui %eq3A_264 : i1 to i32
            %cond3A_266 = arith.constant 0 : i32
            %cond3A_267 = arith.cmpi ne, %convert_element_type3A_265, %cond3A_266 : i32
            scf.if %cond3A_267 {
              %get3A_310 = arith.constant 0 : index
              %get3A_311 = tpu.vector_load %arg7[%get3A_310] {strides = array<i32>} : memref<128xf32, #tpu.memory_space<vmem>>, vector<16xf32>,
              %mul3A_312 = arith.constant 16 : i32
              %mul3A_313 = arith.muli %scan3A_181, %mul3A_312 : i32
              %add3A_314 = arith.constant 9 : i32
              %add3A_315 = arith.addi %mul3A_313, %add3A_314 : i32
              %swap3A = arith.index_cast %rem3A_91 : i32 to index
              %swap3A_316 = arith.index_cast %add3A_315 : i32 to index
              %swap3A_317 = arith.constant 0 : index
              %swap3A_318 = tpu.vector_load %arg8[%swap3A, %swap3A_316, %swap3A_317] {strides = array<i32>} : memref<4x128x128xf32, #tpu.memory_space<vmem>>, vector<16xf32>,
              tpu.vector_store %arg8[%swap3A, %swap3A_316, %swap3A_317], %get3A_311 {strides = array<i32>} : memref<4x128x128xf32, #tpu.memory_space<vmem>>, vector<16xf32>,
              %get3A_319 = arith.constant 16 : index
              %get3A_320 = tpu.vector_load %arg7[%get3A_319] {strides = array<i32>} : memref<128xf32, #tpu.memory_space<vmem>>, vector<16xf32>,
              %mul3A_321 = arith.constant 16 : i32
              %mul3A_322 = arith.muli %scan3A_181, %mul3A_321 : i32
              %add3A_323 = arith.constant 9 : i32
              %add3A_324 = arith.addi %mul3A_322, %add3A_323 : i32
              %swap3A_325 = arith.index_cast %rem3A_91 : i32 to index
              %swap3A_326 = arith.index_cast %add3A_324 : i32 to index
              %swap3A_327 = arith.constant 16 : index
              %swap3A_328 = tpu.vector_load %arg8[%swap3A_325, %swap3A_326, %swap3A_327] {strides = array<i32>} : memref<4x128x128xf32, #tpu.memory_space<vmem>>, vector<16xf32>,
              tpu.vector_store %arg8[%swap3A_325, %swap3A_326, %swap3A_327], %get3A_320 {strides = array<i32>} : memref<4x128x128xf32, #tpu.memory_space<vmem>>, vector<16xf32>,
              %get3A_329 = arith.constant 32 : index
              %get3A_330 = tpu.vector_load %arg7[%get3A_329] {strides = array<i32>} : memref<128xf32, #tpu.memory_space<vmem>>, vector<16xf32>,
              %mul3A_331 = arith.constant 16 : i32
              %mul3A_332 = arith.muli %scan3A_181, %mul3A_331 : i32
              %add3A_333 = arith.constant 9 : i32
              %add3A_334 = arith.addi %mul3A_332, %add3A_333 : i32
              %swap3A_335 = arith.index_cast %rem3A_91 : i32 to index
              %swap3A_336 = arith.index_cast %add3A_334 : i32 to index
              %swap3A_337 = arith.constant 32 : index
              %swap3A_338 = tpu.vector_load %arg8[%swap3A_335, %swap3A_336, %swap3A_337] {strides = array<i32>} : memref<4x128x128xf32, #tpu.memory_space<vmem>>, vector<16xf32>,
              tpu.vector_store %arg8[%swap3A_335, %swap3A_336, %swap3A_337], %get3A_330 {strides = array<i32>} : memref<4x128x128xf32, #tpu.memory_space<vmem>>, vector<16xf32>,
              %get3A_339 = arith.constant 48 : index
              %get3A_340 = tpu.vector_load %arg7[%get3A_339] {strides = array<i32>} : memref<128xf32, #tpu.memory_space<vmem>>, vector<16xf32>,
              %mul3A_341 = arith.constant 16 : i32
              %mul3A_342 = arith.muli %scan3A_181, %mul3A_341 : i32
              %add3A_343 = arith.constant 9 : i32
              %add3A_344 = arith.addi %mul3A_342, %add3A_343 : i32
              %swap3A_345 = arith.index_cast %rem3A_91 : i32 to index
              %swap3A_346 = arith.index_cast %add3A_344 : i32 to index
              %swap3A_347 = arith.constant 48 : index
              %swap3A_348 = tpu.vector_load %arg8[%swap3A_345, %swap3A_346, %swap3A_347] {strides = array<i32>} : memref<4x128x128xf32, #tpu.memory_space<vmem>>, vector<16xf32>,
              tpu.vector_store %arg8[%swap3A_345, %swap3A_346, %swap3A_347], %get3A_340 {strides = array<i32>} : memref<4x128x128xf32, #tpu.memory_space<vmem>>, vector<16xf32>,
              %get3A_349 = arith.constant 64 : index
              %get3A_350 = tpu.vector_load %arg7[%get3A_349] {strides = array<i32>} : memref<128xf32, #tpu.memory_space<vmem>>, vector<16xf32>,
              %mul3A_351 = arith.constant 16 : i32
              %mul3A_352 = arith.muli %scan3A_181, %mul3A_351 : i32
              %add3A_353 = arith.constant 9 : i32
              %add3A_354 = arith.addi %mul3A_352, %add3A_353 : i32
              %swap3A_355 = arith.index_cast %rem3A_91 : i32 to index
              %swap3A_356 = arith.index_cast %add3A_354 : i32 to index
              %swap3A_357 = arith.constant 64 : index
              %swap3A_358 = tpu.vector_load %arg8[%swap3A_355, %swap3A_356, %swap3A_357] {strides = array<i32>} : memref<4x128x128xf32, #tpu.memory_space<vmem>>, vector<16xf32>,
              tpu.vector_store %arg8[%swap3A_355, %swap3A_356, %swap3A_357], %get3A_350 {strides = array<i32>} : memref<4x128x128xf32, #tpu.memory_space<vmem>>, vector<16xf32>,
              %get3A_359 = arith.constant 80 : index
              %get3A_360 = tpu.vector_load %arg7[%get3A_359] {strides = array<i32>} : memref<128xf32, #tpu.memory_space<vmem>>, vector<16xf32>,
              %mul3A_361 = arith.constant 16 : i32
              %mul3A_362 = arith.muli %scan3A_181, %mul3A_361 : i32
              %add3A_363 = arith.constant 9 : i32
              %add3A_364 = arith.addi %mul3A_362, %add3A_363 : i32
              %swap3A_365 = arith.index_cast %rem3A_91 : i32 to index
              %swap3A_366 = arith.index_cast %add3A_364 : i32 to index
              %swap3A_367 = arith.constant 80 : index
              %swap3A_368 = tpu.vector_load %arg8[%swap3A_365, %swap3A_366, %swap3A_367] {strides = array<i32>} : memref<4x128x128xf32, #tpu.memory_space<vmem>>, vector<16xf32>,
              tpu.vector_store %arg8[%swap3A_365, %swap3A_366, %swap3A_367], %get3A_360 {strides = array<i32>} : memref<4x128x128xf32, #tpu.memory_space<vmem>>, vector<16xf32>,
              %get3A_369 = arith.constant 96 : index
              %get3A_370 = tpu.vector_load %arg7[%get3A_369] {strides = array<i32>} : memref<128xf32, #tpu.memory_space<vmem>>, vector<16xf32>,
              %mul3A_371 = arith.constant 16 : i32
              %mul3A_372 = arith.muli %scan3A_181, %mul3A_371 : i32
              %add3A_373 = arith.constant 9 : i32
              %add3A_374 = arith.addi %mul3A_372, %add3A_373 : i32
              %swap3A_375 = arith.index_cast %rem3A_91 : i32 to index
              %swap3A_376 = arith.index_cast %add3A_374 : i32 to index
              %swap3A_377 = arith.constant 96 : index
              %swap3A_378 = tpu.vector_load %arg8[%swap3A_375, %swap3A_376, %swap3A_377] {strides = array<i32>} : memref<4x128x128xf32, #tpu.memory_space<vmem>>, vector<16xf32>,
              tpu.vector_store %arg8[%swap3A_375, %swap3A_376, %swap3A_377], %get3A_370 {strides = array<i32>} : memref<4x128x128xf32, #tpu.memory_space<vmem>>, vector<16xf32>,
              %get3A_379 = arith.constant 112 : index
              %get3A_380 = tpu.vector_load %arg7[%get3A_379] {strides = array<i32>} : memref<128xf32, #tpu.memory_space<vmem>>, vector<16xf32>,
              %mul3A_381 = arith.constant 16 : i32
              %mul3A_382 = arith.muli %scan3A_181, %mul3A_381 : i32
              %add3A_383 = arith.constant 9 : i32
              %add3A_384 = arith.addi %mul3A_382, %add3A_383 : i32
              %swap3A_385 = arith.index_cast %rem3A_91 : i32 to index
              %swap3A_386 = arith.index_cast %add3A_384 : i32 to index
              %swap3A_387 = arith.constant 112 : index
              %swap3A_388 = tpu.vector_load %arg8[%swap3A_385, %swap3A_386, %swap3A_387] {strides = array<i32>} : memref<4x128x128xf32, #tpu.memory_space<vmem>>, vector<16xf32>,
              tpu.vector_store %arg8[%swap3A_385, %swap3A_386, %swap3A_387], %get3A_380 {strides = array<i32>} : memref<4x128x128xf32, #tpu.memory_space<vmem>>, vector<16xf32>,
            } else {
            }
            %slice3A_268 = vector.extract_strided_slice %get3A_186 {offsets = [10], sizes = [1], strides = [1]} : vector<16xi32> to vector<1xi32>
            %squeeze3A_269 = vector.extract %slice3A_268[0] : i32 from vector<1xi32>
            %eq3A_270 = arith.constant 99999 : i32
            %eq3A_271 = arith.cmpi eq, %squeeze3A_269, %eq3A_270 : i32
            %convert_element_type3A_272 = arith.extui %eq3A_271 : i1 to i32
            %cond3A_273 = arith.constant 0 : i32
            %cond3A_274 = arith.cmpi ne, %convert_element_type3A_272, %cond3A_273 : i32
            scf.if %cond3A_274 {
              %get3A_310 = arith.constant 0 : index
              %get3A_311 = tpu.vector_load %arg7[%get3A_310] {strides = array<i32>} : memref<128xf32, #tpu.memory_space<vmem>>, vector<16xf32>,
              %mul3A_312 = arith.constant 16 : i32
              %mul3A_313 = arith.muli %scan3A_181, %mul3A_312 : i32
              %add3A_314 = arith.constant 10 : i32
              %add3A_315 = arith.addi %mul3A_313, %add3A_314 : i32
              %swap3A = arith.index_cast %rem3A_91 : i32 to index
              %swap3A_316 = arith.index_cast %add3A_315 : i32 to index
              %swap3A_317 = arith.constant 0 : index
              %swap3A_318 = tpu.vector_load %arg8[%swap3A, %swap3A_316, %swap3A_317] {strides = array<i32>} : memref<4x128x128xf32, #tpu.memory_space<vmem>>, vector<16xf32>,
              tpu.vector_store %arg8[%swap3A, %swap3A_316, %swap3A_317], %get3A_311 {strides = array<i32>} : memref<4x128x128xf32, #tpu.memory_space<vmem>>, vector<16xf32>,
              %get3A_319 = arith.constant 16 : index
              %get3A_320 = tpu.vector_load %arg7[%get3A_319] {strides = array<i32>} : memref<128xf32, #tpu.memory_space<vmem>>, vector<16xf32>,
              %mul3A_321 = arith.constant 16 : i32
              %mul3A_322 = arith.muli %scan3A_181, %mul3A_321 : i32
              %add3A_323 = arith.constant 10 : i32
              %add3A_324 = arith.addi %mul3A_322, %add3A_323 : i32
              %swap3A_325 = arith.index_cast %rem3A_91 : i32 to index
              %swap3A_326 = arith.index_cast %add3A_324 : i32 to index
              %swap3A_327 = arith.constant 16 : index
              %swap3A_328 = tpu.vector_load %arg8[%swap3A_325, %swap3A_326, %swap3A_327] {strides = array<i32>} : memref<4x128x128xf32, #tpu.memory_space<vmem>>, vector<16xf32>,
              tpu.vector_store %arg8[%swap3A_325, %swap3A_326, %swap3A_327], %get3A_320 {strides = array<i32>} : memref<4x128x128xf32, #tpu.memory_space<vmem>>, vector<16xf32>,
              %get3A_329 = arith.constant 32 : index
              %get3A_330 = tpu.vector_load %arg7[%get3A_329] {strides = array<i32>} : memref<128xf32, #tpu.memory_space<vmem>>, vector<16xf32>,
              %mul3A_331 = arith.constant 16 : i32
              %mul3A_332 = arith.muli %scan3A_181, %mul3A_331 : i32
              %add3A_333 = arith.constant 10 : i32
              %add3A_334 = arith.addi %mul3A_332, %add3A_333 : i32
              %swap3A_335 = arith.index_cast %rem3A_91 : i32 to index
              %swap3A_336 = arith.index_cast %add3A_334 : i32 to index
              %swap3A_337 = arith.constant 32 : index
              %swap3A_338 = tpu.vector_load %arg8[%swap3A_335, %swap3A_336, %swap3A_337] {strides = array<i32>} : memref<4x128x128xf32, #tpu.memory_space<vmem>>, vector<16xf32>,
              tpu.vector_store %arg8[%swap3A_335, %swap3A_336, %swap3A_337], %get3A_330 {strides = array<i32>} : memref<4x128x128xf32, #tpu.memory_space<vmem>>, vector<16xf32>,
              %get3A_339 = arith.constant 48 : index
              %get3A_340 = tpu.vector_load %arg7[%get3A_339] {strides = array<i32>} : memref<128xf32, #tpu.memory_space<vmem>>, vector<16xf32>,
              %mul3A_341 = arith.constant 16 : i32
              %mul3A_342 = arith.muli %scan3A_181, %mul3A_341 : i32
              %add3A_343 = arith.constant 10 : i32
              %add3A_344 = arith.addi %mul3A_342, %add3A_343 : i32
              %swap3A_345 = arith.index_cast %rem3A_91 : i32 to index
              %swap3A_346 = arith.index_cast %add3A_344 : i32 to index
              %swap3A_347 = arith.constant 48 : index
              %swap3A_348 = tpu.vector_load %arg8[%swap3A_345, %swap3A_346, %swap3A_347] {strides = array<i32>} : memref<4x128x128xf32, #tpu.memory_space<vmem>>, vector<16xf32>,
              tpu.vector_store %arg8[%swap3A_345, %swap3A_346, %swap3A_347], %get3A_340 {strides = array<i32>} : memref<4x128x128xf32, #tpu.memory_space<vmem>>, vector<16xf32>,
              %get3A_349 = arith.constant 64 : index
              %get3A_350 = tpu.vector_load %arg7[%get3A_349] {strides = array<i32>} : memref<128xf32, #tpu.memory_space<vmem>>, vector<16xf32>,
              %mul3A_351 = arith.constant 16 : i32
              %mul3A_352 = arith.muli %scan3A_181, %mul3A_351 : i32
              %add3A_353 = arith.constant 10 : i32
              %add3A_354 = arith.addi %mul3A_352, %add3A_353 : i32
              %swap3A_355 = arith.index_cast %rem3A_91 : i32 to index
              %swap3A_356 = arith.index_cast %add3A_354 : i32 to index
              %swap3A_357 = arith.constant 64 : index
              %swap3A_358 = tpu.vector_load %arg8[%swap3A_355, %swap3A_356, %swap3A_357] {strides = array<i32>} : memref<4x128x128xf32, #tpu.memory_space<vmem>>, vector<16xf32>,
              tpu.vector_store %arg8[%swap3A_355, %swap3A_356, %swap3A_357], %get3A_350 {strides = array<i32>} : memref<4x128x128xf32, #tpu.memory_space<vmem>>, vector<16xf32>,
              %get3A_359 = arith.constant 80 : index
              %get3A_360 = tpu.vector_load %arg7[%get3A_359] {strides = array<i32>} : memref<128xf32, #tpu.memory_space<vmem>>, vector<16xf32>,
              %mul3A_361 = arith.constant 16 : i32
              %mul3A_362 = arith.muli %scan3A_181, %mul3A_361 : i32
              %add3A_363 = arith.constant 10 : i32
              %add3A_364 = arith.addi %mul3A_362, %add3A_363 : i32
              %swap3A_365 = arith.index_cast %rem3A_91 : i32 to index
              %swap3A_366 = arith.index_cast %add3A_364 : i32 to index
              %swap3A_367 = arith.constant 80 : index
              %swap3A_368 = tpu.vector_load %arg8[%swap3A_365, %swap3A_366, %swap3A_367] {strides = array<i32>} : memref<4x128x128xf32, #tpu.memory_space<vmem>>, vector<16xf32>,
              tpu.vector_store %arg8[%swap3A_365, %swap3A_366, %swap3A_367], %get3A_360 {strides = array<i32>} : memref<4x128x128xf32, #tpu.memory_space<vmem>>, vector<16xf32>,
              %get3A_369 = arith.constant 96 : index
              %get3A_370 = tpu.vector_load %arg7[%get3A_369] {strides = array<i32>} : memref<128xf32, #tpu.memory_space<vmem>>, vector<16xf32>,
              %mul3A_371 = arith.constant 16 : i32
              %mul3A_372 = arith.muli %scan3A_181, %mul3A_371 : i32
              %add3A_373 = arith.constant 10 : i32
              %add3A_374 = arith.addi %mul3A_372, %add3A_373 : i32
              %swap3A_375 = arith.index_cast %rem3A_91 : i32 to index
              %swap3A_376 = arith.index_cast %add3A_374 : i32 to index
              %swap3A_377 = arith.constant 96 : index
              %swap3A_378 = tpu.vector_load %arg8[%swap3A_375, %swap3A_376, %swap3A_377] {strides = array<i32>} : memref<4x128x128xf32, #tpu.memory_space<vmem>>, vector<16xf32>,
              tpu.vector_store %arg8[%swap3A_375, %swap3A_376, %swap3A_377], %get3A_370 {strides = array<i32>} : memref<4x128x128xf32, #tpu.memory_space<vmem>>, vector<16xf32>,
              %get3A_379 = arith.constant 112 : index
              %get3A_380 = tpu.vector_load %arg7[%get3A_379] {strides = array<i32>} : memref<128xf32, #tpu.memory_space<vmem>>, vector<16xf32>,
              %mul3A_381 = arith.constant 16 : i32
              %mul3A_382 = arith.muli %scan3A_181, %mul3A_381 : i32
              %add3A_383 = arith.constant 10 : i32
              %add3A_384 = arith.addi %mul3A_382, %add3A_383 : i32
              %swap3A_385 = arith.index_cast %rem3A_91 : i32 to index
              %swap3A_386 = arith.index_cast %add3A_384 : i32 to index
              %swap3A_387 = arith.constant 112 : index
              %swap3A_388 = tpu.vector_load %arg8[%swap3A_385, %swap3A_386, %swap3A_387] {strides = array<i32>} : memref<4x128x128xf32, #tpu.memory_space<vmem>>, vector<16xf32>,
              tpu.vector_store %arg8[%swap3A_385, %swap3A_386, %swap3A_387], %get3A_380 {strides = array<i32>} : memref<4x128x128xf32, #tpu.memory_space<vmem>>, vector<16xf32>,
            } else {
            }
            %slice3A_275 = vector.extract_strided_slice %get3A_186 {offsets = [11], sizes = [1], strides = [1]} : vector<16xi32> to vector<1xi32>
            %squeeze3A_276 = vector.extract %slice3A_275[0] : i32 from vector<1xi32>
            %eq3A_277 = arith.constant 99999 : i32
            %eq3A_278 = arith.cmpi eq, %squeeze3A_276, %eq3A_277 : i32
            %convert_element_type3A_279 = arith.extui %eq3A_278 : i1 to i32
            %cond3A_280 = arith.constant 0 : i32
            %cond3A_281 = arith.cmpi ne, %convert_element_type3A_279, %cond3A_280 : i32
            scf.if %cond3A_281 {
              %get3A_310 = arith.constant 0 : index
              %get3A_311 = tpu.vector_load %arg7[%get3A_310] {strides = array<i32>} : memref<128xf32, #tpu.memory_space<vmem>>, vector<16xf32>,
              %mul3A_312 = arith.constant 16 : i32
              %mul3A_313 = arith.muli %scan3A_181, %mul3A_312 : i32
              %add3A_314 = arith.constant 11 : i32
              %add3A_315 = arith.addi %mul3A_313, %add3A_314 : i32
              %swap3A = arith.index_cast %rem3A_91 : i32 to index
              %swap3A_316 = arith.index_cast %add3A_315 : i32 to index
              %swap3A_317 = arith.constant 0 : index
              %swap3A_318 = tpu.vector_load %arg8[%swap3A, %swap3A_316, %swap3A_317] {strides = array<i32>} : memref<4x128x128xf32, #tpu.memory_space<vmem>>, vector<16xf32>,
              tpu.vector_store %arg8[%swap3A, %swap3A_316, %swap3A_317], %get3A_311 {strides = array<i32>} : memref<4x128x128xf32, #tpu.memory_space<vmem>>, vector<16xf32>,
              %get3A_319 = arith.constant 16 : index
              %get3A_320 = tpu.vector_load %arg7[%get3A_319] {strides = array<i32>} : memref<128xf32, #tpu.memory_space<vmem>>, vector<16xf32>,
              %mul3A_321 = arith.constant 16 : i32
              %mul3A_322 = arith.muli %scan3A_181, %mul3A_321 : i32
              %add3A_323 = arith.constant 11 : i32
              %add3A_324 = arith.addi %mul3A_322, %add3A_323 : i32
              %swap3A_325 = arith.index_cast %rem3A_91 : i32 to index
              %swap3A_326 = arith.index_cast %add3A_324 : i32 to index
              %swap3A_327 = arith.constant 16 : index
              %swap3A_328 = tpu.vector_load %arg8[%swap3A_325, %swap3A_326, %swap3A_327] {strides = array<i32>} : memref<4x128x128xf32, #tpu.memory_space<vmem>>, vector<16xf32>,
              tpu.vector_store %arg8[%swap3A_325, %swap3A_326, %swap3A_327], %get3A_320 {strides = array<i32>} : memref<4x128x128xf32, #tpu.memory_space<vmem>>, vector<16xf32>,
              %get3A_329 = arith.constant 32 : index
              %get3A_330 = tpu.vector_load %arg7[%get3A_329] {strides = array<i32>} : memref<128xf32, #tpu.memory_space<vmem>>, vector<16xf32>,
              %mul3A_331 = arith.constant 16 : i32
              %mul3A_332 = arith.muli %scan3A_181, %mul3A_331 : i32
              %add3A_333 = arith.constant 11 : i32
              %add3A_334 = arith.addi %mul3A_332, %add3A_333 : i32
              %swap3A_335 = arith.index_cast %rem3A_91 : i32 to index
              %swap3A_336 = arith.index_cast %add3A_334 : i32 to index
              %swap3A_337 = arith.constant 32 : index
              %swap3A_338 = tpu.vector_load %arg8[%swap3A_335, %swap3A_336, %swap3A_337] {strides = array<i32>} : memref<4x128x128xf32, #tpu.memory_space<vmem>>, vector<16xf32>,
              tpu.vector_store %arg8[%swap3A_335, %swap3A_336, %swap3A_337], %get3A_330 {strides = array<i32>} : memref<4x128x128xf32, #tpu.memory_space<vmem>>, vector<16xf32>,
              %get3A_339 = arith.constant 48 : index
              %get3A_340 = tpu.vector_load %arg7[%get3A_339] {strides = array<i32>} : memref<128xf32, #tpu.memory_space<vmem>>, vector<16xf32>,
              %mul3A_341 = arith.constant 16 : i32
              %mul3A_342 = arith.muli %scan3A_181, %mul3A_341 : i32
              %add3A_343 = arith.constant 11 : i32
              %add3A_344 = arith.addi %mul3A_342, %add3A_343 : i32
              %swap3A_345 = arith.index_cast %rem3A_91 : i32 to index
              %swap3A_346 = arith.index_cast %add3A_344 : i32 to index
              %swap3A_347 = arith.constant 48 : index
              %swap3A_348 = tpu.vector_load %arg8[%swap3A_345, %swap3A_346, %swap3A_347] {strides = array<i32>} : memref<4x128x128xf32, #tpu.memory_space<vmem>>, vector<16xf32>,
              tpu.vector_store %arg8[%swap3A_345, %swap3A_346, %swap3A_347], %get3A_340 {strides = array<i32>} : memref<4x128x128xf32, #tpu.memory_space<vmem>>, vector<16xf32>,
              %get3A_349 = arith.constant 64 : index
              %get3A_350 = tpu.vector_load %arg7[%get3A_349] {strides = array<i32>} : memref<128xf32, #tpu.memory_space<vmem>>, vector<16xf32>,
              %mul3A_351 = arith.constant 16 : i32
              %mul3A_352 = arith.muli %scan3A_181, %mul3A_351 : i32
              %add3A_353 = arith.constant 11 : i32
              %add3A_354 = arith.addi %mul3A_352, %add3A_353 : i32
              %swap3A_355 = arith.index_cast %rem3A_91 : i32 to index
              %swap3A_356 = arith.index_cast %add3A_354 : i32 to index
              %swap3A_357 = arith.constant 64 : index
              %swap3A_358 = tpu.vector_load %arg8[%swap3A_355, %swap3A_356, %swap3A_357] {strides = array<i32>} : memref<4x128x128xf32, #tpu.memory_space<vmem>>, vector<16xf32>,
              tpu.vector_store %arg8[%swap3A_355, %swap3A_356, %swap3A_357], %get3A_350 {strides = array<i32>} : memref<4x128x128xf32, #tpu.memory_space<vmem>>, vector<16xf32>,
              %get3A_359 = arith.constant 80 : index
              %get3A_360 = tpu.vector_load %arg7[%get3A_359] {strides = array<i32>} : memref<128xf32, #tpu.memory_space<vmem>>, vector<16xf32>,
              %mul3A_361 = arith.constant 16 : i32
              %mul3A_362 = arith.muli %scan3A_181, %mul3A_361 : i32
              %add3A_363 = arith.constant 11 : i32
              %add3A_364 = arith.addi %mul3A_362, %add3A_363 : i32
              %swap3A_365 = arith.index_cast %rem3A_91 : i32 to index
              %swap3A_366 = arith.index_cast %add3A_364 : i32 to index
              %swap3A_367 = arith.constant 80 : index
              %swap3A_368 = tpu.vector_load %arg8[%swap3A_365, %swap3A_366, %swap3A_367] {strides = array<i32>} : memref<4x128x128xf32, #tpu.memory_space<vmem>>, vector<16xf32>,
              tpu.vector_store %arg8[%swap3A_365, %swap3A_366, %swap3A_367], %get3A_360 {strides = array<i32>} : memref<4x128x128xf32, #tpu.memory_space<vmem>>, vector<16xf32>,
              %get3A_369 = arith.constant 96 : index
              %get3A_370 = tpu.vector_load %arg7[%get3A_369] {strides = array<i32>} : memref<128xf32, #tpu.memory_space<vmem>>, vector<16xf32>,
              %mul3A_371 = arith.constant 16 : i32
              %mul3A_372 = arith.muli %scan3A_181, %mul3A_371 : i32
              %add3A_373 = arith.constant 11 : i32
              %add3A_374 = arith.addi %mul3A_372, %add3A_373 : i32
              %swap3A_375 = arith.index_cast %rem3A_91 : i32 to index
              %swap3A_376 = arith.index_cast %add3A_374 : i32 to index
              %swap3A_377 = arith.constant 96 : index
              %swap3A_378 = tpu.vector_load %arg8[%swap3A_375, %swap3A_376, %swap3A_377] {strides = array<i32>} : memref<4x128x128xf32, #tpu.memory_space<vmem>>, vector<16xf32>,
              tpu.vector_store %arg8[%swap3A_375, %swap3A_376, %swap3A_377], %get3A_370 {strides = array<i32>} : memref<4x128x128xf32, #tpu.memory_space<vmem>>, vector<16xf32>,
              %get3A_379 = arith.constant 112 : index
              %get3A_380 = tpu.vector_load %arg7[%get3A_379] {strides = array<i32>} : memref<128xf32, #tpu.memory_space<vmem>>, vector<16xf32>,
              %mul3A_381 = arith.constant 16 : i32
              %mul3A_382 = arith.muli %scan3A_181, %mul3A_381 : i32
              %add3A_383 = arith.constant 11 : i32
              %add3A_384 = arith.addi %mul3A_382, %add3A_383 : i32
              %swap3A_385 = arith.index_cast %rem3A_91 : i32 to index
              %swap3A_386 = arith.index_cast %add3A_384 : i32 to index
              %swap3A_387 = arith.constant 112 : index
              %swap3A_388 = tpu.vector_load %arg8[%swap3A_385, %swap3A_386, %swap3A_387] {strides = array<i32>} : memref<4x128x128xf32, #tpu.memory_space<vmem>>, vector<16xf32>,
              tpu.vector_store %arg8[%swap3A_385, %swap3A_386, %swap3A_387], %get3A_380 {strides = array<i32>} : memref<4x128x128xf32, #tpu.memory_space<vmem>>, vector<16xf32>,
            } else {
            }
            %slice3A_282 = vector.extract_strided_slice %get3A_186 {offsets = [12], sizes = [1], strides = [1]} : vector<16xi32> to vector<1xi32>
            %squeeze3A_283 = vector.extract %slice3A_282[0] : i32 from vector<1xi32>
            %eq3A_284 = arith.constant 99999 : i32
            %eq3A_285 = arith.cmpi eq, %squeeze3A_283, %eq3A_284 : i32
            %convert_element_type3A_286 = arith.extui %eq3A_285 : i1 to i32
            %cond3A_287 = arith.constant 0 : i32
            %cond3A_288 = arith.cmpi ne, %convert_element_type3A_286, %cond3A_287 : i32
            scf.if %cond3A_288 {
              %get3A_310 = arith.constant 0 : index
              %get3A_311 = tpu.vector_load %arg7[%get3A_310] {strides = array<i32>} : memref<128xf32, #tpu.memory_space<vmem>>, vector<16xf32>,
              %mul3A_312 = arith.constant 16 : i32
              %mul3A_313 = arith.muli %scan3A_181, %mul3A_312 : i32
              %add3A_314 = arith.constant 12 : i32
              %add3A_315 = arith.addi %mul3A_313, %add3A_314 : i32
              %swap3A = arith.index_cast %rem3A_91 : i32 to index
              %swap3A_316 = arith.index_cast %add3A_315 : i32 to index
              %swap3A_317 = arith.constant 0 : index
              %swap3A_318 = tpu.vector_load %arg8[%swap3A, %swap3A_316, %swap3A_317] {strides = array<i32>} : memref<4x128x128xf32, #tpu.memory_space<vmem>>, vector<16xf32>,
              tpu.vector_store %arg8[%swap3A, %swap3A_316, %swap3A_317], %get3A_311 {strides = array<i32>} : memref<4x128x128xf32, #tpu.memory_space<vmem>>, vector<16xf32>,
              %get3A_319 = arith.constant 16 : index
              %get3A_320 = tpu.vector_load %arg7[%get3A_319] {strides = array<i32>} : memref<128xf32, #tpu.memory_space<vmem>>, vector<16xf32>,
              %mul3A_321 = arith.constant 16 : i32
              %mul3A_322 = arith.muli %scan3A_181, %mul3A_321 : i32
              %add3A_323 = arith.constant 12 : i32
              %add3A_324 = arith.addi %mul3A_322, %add3A_323 : i32
              %swap3A_325 = arith.index_cast %rem3A_91 : i32 to index
              %swap3A_326 = arith.index_cast %add3A_324 : i32 to index
              %swap3A_327 = arith.constant 16 : index
              %swap3A_328 = tpu.vector_load %arg8[%swap3A_325, %swap3A_326, %swap3A_327] {strides = array<i32>} : memref<4x128x128xf32, #tpu.memory_space<vmem>>, vector<16xf32>,
              tpu.vector_store %arg8[%swap3A_325, %swap3A_326, %swap3A_327], %get3A_320 {strides = array<i32>} : memref<4x128x128xf32, #tpu.memory_space<vmem>>, vector<16xf32>,
              %get3A_329 = arith.constant 32 : index
              %get3A_330 = tpu.vector_load %arg7[%get3A_329] {strides = array<i32>} : memref<128xf32, #tpu.memory_space<vmem>>, vector<16xf32>,
              %mul3A_331 = arith.constant 16 : i32
              %mul3A_332 = arith.muli %scan3A_181, %mul3A_331 : i32
              %add3A_333 = arith.constant 12 : i32
              %add3A_334 = arith.addi %mul3A_332, %add3A_333 : i32
              %swap3A_335 = arith.index_cast %rem3A_91 : i32 to index
              %swap3A_336 = arith.index_cast %add3A_334 : i32 to index
              %swap3A_337 = arith.constant 32 : index
              %swap3A_338 = tpu.vector_load %arg8[%swap3A_335, %swap3A_336, %swap3A_337] {strides = array<i32>} : memref<4x128x128xf32, #tpu.memory_space<vmem>>, vector<16xf32>,
              tpu.vector_store %arg8[%swap3A_335, %swap3A_336, %swap3A_337], %get3A_330 {strides = array<i32>} : memref<4x128x128xf32, #tpu.memory_space<vmem>>, vector<16xf32>,
              %get3A_339 = arith.constant 48 : index
              %get3A_340 = tpu.vector_load %arg7[%get3A_339] {strides = array<i32>} : memref<128xf32, #tpu.memory_space<vmem>>, vector<16xf32>,
              %mul3A_341 = arith.constant 16 : i32
              %mul3A_342 = arith.muli %scan3A_181, %mul3A_341 : i32
              %add3A_343 = arith.constant 12 : i32
              %add3A_344 = arith.addi %mul3A_342, %add3A_343 : i32
              %swap3A_345 = arith.index_cast %rem3A_91 : i32 to index
              %swap3A_346 = arith.index_cast %add3A_344 : i32 to index
              %swap3A_347 = arith.constant 48 : index
              %swap3A_348 = tpu.vector_load %arg8[%swap3A_345, %swap3A_346, %swap3A_347] {strides = array<i32>} : memref<4x128x128xf32, #tpu.memory_space<vmem>>, vector<16xf32>,
              tpu.vector_store %arg8[%swap3A_345, %swap3A_346, %swap3A_347], %get3A_340 {strides = array<i32>} : memref<4x128x128xf32, #tpu.memory_space<vmem>>, vector<16xf32>,
              %get3A_349 = arith.constant 64 : index
              %get3A_350 = tpu.vector_load %arg7[%get3A_349] {strides = array<i32>} : memref<128xf32, #tpu.memory_space<vmem>>, vector<16xf32>,
              %mul3A_351 = arith.constant 16 : i32
              %mul3A_352 = arith.muli %scan3A_181, %mul3A_351 : i32
              %add3A_353 = arith.constant 12 : i32
              %add3A_354 = arith.addi %mul3A_352, %add3A_353 : i32
              %swap3A_355 = arith.index_cast %rem3A_91 : i32 to index
              %swap3A_356 = arith.index_cast %add3A_354 : i32 to index
              %swap3A_357 = arith.constant 64 : index
              %swap3A_358 = tpu.vector_load %arg8[%swap3A_355, %swap3A_356, %swap3A_357] {strides = array<i32>} : memref<4x128x128xf32, #tpu.memory_space<vmem>>, vector<16xf32>,
              tpu.vector_store %arg8[%swap3A_355, %swap3A_356, %swap3A_357], %get3A_350 {strides = array<i32>} : memref<4x128x128xf32, #tpu.memory_space<vmem>>, vector<16xf32>,
              %get3A_359 = arith.constant 80 : index
              %get3A_360 = tpu.vector_load %arg7[%get3A_359] {strides = array<i32>} : memref<128xf32, #tpu.memory_space<vmem>>, vector<16xf32>,
              %mul3A_361 = arith.constant 16 : i32
              %mul3A_362 = arith.muli %scan3A_181, %mul3A_361 : i32
              %add3A_363 = arith.constant 12 : i32
              %add3A_364 = arith.addi %mul3A_362, %add3A_363 : i32
              %swap3A_365 = arith.index_cast %rem3A_91 : i32 to index
              %swap3A_366 = arith.index_cast %add3A_364 : i32 to index
              %swap3A_367 = arith.constant 80 : index
              %swap3A_368 = tpu.vector_load %arg8[%swap3A_365, %swap3A_366, %swap3A_367] {strides = array<i32>} : memref<4x128x128xf32, #tpu.memory_space<vmem>>, vector<16xf32>,
              tpu.vector_store %arg8[%swap3A_365, %swap3A_366, %swap3A_367], %get3A_360 {strides = array<i32>} : memref<4x128x128xf32, #tpu.memory_space<vmem>>, vector<16xf32>,
              %get3A_369 = arith.constant 96 : index
              %get3A_370 = tpu.vector_load %arg7[%get3A_369] {strides = array<i32>} : memref<128xf32, #tpu.memory_space<vmem>>, vector<16xf32>,
              %mul3A_371 = arith.constant 16 : i32
              %mul3A_372 = arith.muli %scan3A_181, %mul3A_371 : i32
              %add3A_373 = arith.constant 12 : i32
              %add3A_374 = arith.addi %mul3A_372, %add3A_373 : i32
              %swap3A_375 = arith.index_cast %rem3A_91 : i32 to index
              %swap3A_376 = arith.index_cast %add3A_374 : i32 to index
              %swap3A_377 = arith.constant 96 : index
              %swap3A_378 = tpu.vector_load %arg8[%swap3A_375, %swap3A_376, %swap3A_377] {strides = array<i32>} : memref<4x128x128xf32, #tpu.memory_space<vmem>>, vector<16xf32>,
              tpu.vector_store %arg8[%swap3A_375, %swap3A_376, %swap3A_377], %get3A_370 {strides = array<i32>} : memref<4x128x128xf32, #tpu.memory_space<vmem>>, vector<16xf32>,
              %get3A_379 = arith.constant 112 : index
              %get3A_380 = tpu.vector_load %arg7[%get3A_379] {strides = array<i32>} : memref<128xf32, #tpu.memory_space<vmem>>, vector<16xf32>,
              %mul3A_381 = arith.constant 16 : i32
              %mul3A_382 = arith.muli %scan3A_181, %mul3A_381 : i32
              %add3A_383 = arith.constant 12 : i32
              %add3A_384 = arith.addi %mul3A_382, %add3A_383 : i32
              %swap3A_385 = arith.index_cast %rem3A_91 : i32 to index
              %swap3A_386 = arith.index_cast %add3A_384 : i32 to index
              %swap3A_387 = arith.constant 112 : index
              %swap3A_388 = tpu.vector_load %arg8[%swap3A_385, %swap3A_386, %swap3A_387] {strides = array<i32>} : memref<4x128x128xf32, #tpu.memory_space<vmem>>, vector<16xf32>,
              tpu.vector_store %arg8[%swap3A_385, %swap3A_386, %swap3A_387], %get3A_380 {strides = array<i32>} : memref<4x128x128xf32, #tpu.memory_space<vmem>>, vector<16xf32>,
            } else {
            }
            %slice3A_289 = vector.extract_strided_slice %get3A_186 {offsets = [13], sizes = [1], strides = [1]} : vector<16xi32> to vector<1xi32>
            %squeeze3A_290 = vector.extract %slice3A_289[0] : i32 from vector<1xi32>
            %eq3A_291 = arith.constant 99999 : i32
            %eq3A_292 = arith.cmpi eq, %squeeze3A_290, %eq3A_291 : i32
            %convert_element_type3A_293 = arith.extui %eq3A_292 : i1 to i32
            %cond3A_294 = arith.constant 0 : i32
            %cond3A_295 = arith.cmpi ne, %convert_element_type3A_293, %cond3A_294 : i32
            scf.if %cond3A_295 {
              %get3A_310 = arith.constant 0 : index
              %get3A_311 = tpu.vector_load %arg7[%get3A_310] {strides = array<i32>} : memref<128xf32, #tpu.memory_space<vmem>>, vector<16xf32>,
              %mul3A_312 = arith.constant 16 : i32
              %mul3A_313 = arith.muli %scan3A_181, %mul3A_312 : i32
              %add3A_314 = arith.constant 13 : i32
              %add3A_315 = arith.addi %mul3A_313, %add3A_314 : i32
              %swap3A = arith.index_cast %rem3A_91 : i32 to index
              %swap3A_316 = arith.index_cast %add3A_315 : i32 to index
              %swap3A_317 = arith.constant 0 : index
              %swap3A_318 = tpu.vector_load %arg8[%swap3A, %swap3A_316, %swap3A_317] {strides = array<i32>} : memref<4x128x128xf32, #tpu.memory_space<vmem>>, vector<16xf32>,
              tpu.vector_store %arg8[%swap3A, %swap3A_316, %swap3A_317], %get3A_311 {strides = array<i32>} : memref<4x128x128xf32, #tpu.memory_space<vmem>>, vector<16xf32>,
              %get3A_319 = arith.constant 16 : index
              %get3A_320 = tpu.vector_load %arg7[%get3A_319] {strides = array<i32>} : memref<128xf32, #tpu.memory_space<vmem>>, vector<16xf32>,
              %mul3A_321 = arith.constant 16 : i32
              %mul3A_322 = arith.muli %scan3A_181, %mul3A_321 : i32
              %add3A_323 = arith.constant 13 : i32
              %add3A_324 = arith.addi %mul3A_322, %add3A_323 : i32
              %swap3A_325 = arith.index_cast %rem3A_91 : i32 to index
              %swap3A_326 = arith.index_cast %add3A_324 : i32 to index
              %swap3A_327 = arith.constant 16 : index
              %swap3A_328 = tpu.vector_load %arg8[%swap3A_325, %swap3A_326, %swap3A_327] {strides = array<i32>} : memref<4x128x128xf32, #tpu.memory_space<vmem>>, vector<16xf32>,
              tpu.vector_store %arg8[%swap3A_325, %swap3A_326, %swap3A_327], %get3A_320 {strides = array<i32>} : memref<4x128x128xf32, #tpu.memory_space<vmem>>, vector<16xf32>,
              %get3A_329 = arith.constant 32 : index
              %get3A_330 = tpu.vector_load %arg7[%get3A_329] {strides = array<i32>} : memref<128xf32, #tpu.memory_space<vmem>>, vector<16xf32>,
              %mul3A_331 = arith.constant 16 : i32
              %mul3A_332 = arith.muli %scan3A_181, %mul3A_331 : i32
              %add3A_333 = arith.constant 13 : i32
              %add3A_334 = arith.addi %mul3A_332, %add3A_333 : i32
              %swap3A_335 = arith.index_cast %rem3A_91 : i32 to index
              %swap3A_336 = arith.index_cast %add3A_334 : i32 to index
              %swap3A_337 = arith.constant 32 : index
              %swap3A_338 = tpu.vector_load %arg8[%swap3A_335, %swap3A_336, %swap3A_337] {strides = array<i32>} : memref<4x128x128xf32, #tpu.memory_space<vmem>>, vector<16xf32>,
              tpu.vector_store %arg8[%swap3A_335, %swap3A_336, %swap3A_337], %get3A_330 {strides = array<i32>} : memref<4x128x128xf32, #tpu.memory_space<vmem>>, vector<16xf32>,
              %get3A_339 = arith.constant 48 : index
              %get3A_340 = tpu.vector_load %arg7[%get3A_339] {strides = array<i32>} : memref<128xf32, #tpu.memory_space<vmem>>, vector<16xf32>,
              %mul3A_341 = arith.constant 16 : i32
              %mul3A_342 = arith.muli %scan3A_181, %mul3A_341 : i32
              %add3A_343 = arith.constant 13 : i32
              %add3A_344 = arith.addi %mul3A_342, %add3A_343 : i32
              %swap3A_345 = arith.index_cast %rem3A_91 : i32 to index
              %swap3A_346 = arith.index_cast %add3A_344 : i32 to index
              %swap3A_347 = arith.constant 48 : index
              %swap3A_348 = tpu.vector_load %arg8[%swap3A_345, %swap3A_346, %swap3A_347] {strides = array<i32>} : memref<4x128x128xf32, #tpu.memory_space<vmem>>, vector<16xf32>,
              tpu.vector_store %arg8[%swap3A_345, %swap3A_346, %swap3A_347], %get3A_340 {strides = array<i32>} : memref<4x128x128xf32, #tpu.memory_space<vmem>>, vector<16xf32>,
              %get3A_349 = arith.constant 64 : index
              %get3A_350 = tpu.vector_load %arg7[%get3A_349] {strides = array<i32>} : memref<128xf32, #tpu.memory_space<vmem>>, vector<16xf32>,
              %mul3A_351 = arith.constant 16 : i32
              %mul3A_352 = arith.muli %scan3A_181, %mul3A_351 : i32
              %add3A_353 = arith.constant 13 : i32
              %add3A_354 = arith.addi %mul3A_352, %add3A_353 : i32
              %swap3A_355 = arith.index_cast %rem3A_91 : i32 to index
              %swap3A_356 = arith.index_cast %add3A_354 : i32 to index
              %swap3A_357 = arith.constant 64 : index
              %swap3A_358 = tpu.vector_load %arg8[%swap3A_355, %swap3A_356, %swap3A_357] {strides = array<i32>} : memref<4x128x128xf32, #tpu.memory_space<vmem>>, vector<16xf32>,
              tpu.vector_store %arg8[%swap3A_355, %swap3A_356, %swap3A_357], %get3A_350 {strides = array<i32>} : memref<4x128x128xf32, #tpu.memory_space<vmem>>, vector<16xf32>,
              %get3A_359 = arith.constant 80 : index
              %get3A_360 = tpu.vector_load %arg7[%get3A_359] {strides = array<i32>} : memref<128xf32, #tpu.memory_space<vmem>>, vector<16xf32>,
              %mul3A_361 = arith.constant 16 : i32
              %mul3A_362 = arith.muli %scan3A_181, %mul3A_361 : i32
              %add3A_363 = arith.constant 13 : i32
              %add3A_364 = arith.addi %mul3A_362, %add3A_363 : i32
              %swap3A_365 = arith.index_cast %rem3A_91 : i32 to index
              %swap3A_366 = arith.index_cast %add3A_364 : i32 to index
              %swap3A_367 = arith.constant 80 : index
              %swap3A_368 = tpu.vector_load %arg8[%swap3A_365, %swap3A_366, %swap3A_367] {strides = array<i32>} : memref<4x128x128xf32, #tpu.memory_space<vmem>>, vector<16xf32>,
              tpu.vector_store %arg8[%swap3A_365, %swap3A_366, %swap3A_367], %get3A_360 {strides = array<i32>} : memref<4x128x128xf32, #tpu.memory_space<vmem>>, vector<16xf32>,
              %get3A_369 = arith.constant 96 : index
              %get3A_370 = tpu.vector_load %arg7[%get3A_369] {strides = array<i32>} : memref<128xf32, #tpu.memory_space<vmem>>, vector<16xf32>,
              %mul3A_371 = arith.constant 16 : i32
              %mul3A_372 = arith.muli %scan3A_181, %mul3A_371 : i32
              %add3A_373 = arith.constant 13 : i32
              %add3A_374 = arith.addi %mul3A_372, %add3A_373 : i32
              %swap3A_375 = arith.index_cast %rem3A_91 : i32 to index
              %swap3A_376 = arith.index_cast %add3A_374 : i32 to index
              %swap3A_377 = arith.constant 96 : index
              %swap3A_378 = tpu.vector_load %arg8[%swap3A_375, %swap3A_376, %swap3A_377] {strides = array<i32>} : memref<4x128x128xf32, #tpu.memory_space<vmem>>, vector<16xf32>,
              tpu.vector_store %arg8[%swap3A_375, %swap3A_376, %swap3A_377], %get3A_370 {strides = array<i32>} : memref<4x128x128xf32, #tpu.memory_space<vmem>>, vector<16xf32>,
              %get3A_379 = arith.constant 112 : index
              %get3A_380 = tpu.vector_load %arg7[%get3A_379] {strides = array<i32>} : memref<128xf32, #tpu.memory_space<vmem>>, vector<16xf32>,
              %mul3A_381 = arith.constant 16 : i32
              %mul3A_382 = arith.muli %scan3A_181, %mul3A_381 : i32
              %add3A_383 = arith.constant 13 : i32
              %add3A_384 = arith.addi %mul3A_382, %add3A_383 : i32
              %swap3A_385 = arith.index_cast %rem3A_91 : i32 to index
              %swap3A_386 = arith.index_cast %add3A_384 : i32 to index
              %swap3A_387 = arith.constant 112 : index
              %swap3A_388 = tpu.vector_load %arg8[%swap3A_385, %swap3A_386, %swap3A_387] {strides = array<i32>} : memref<4x128x128xf32, #tpu.memory_space<vmem>>, vector<16xf32>,
              tpu.vector_store %arg8[%swap3A_385, %swap3A_386, %swap3A_387], %get3A_380 {strides = array<i32>} : memref<4x128x128xf32, #tpu.memory_space<vmem>>, vector<16xf32>,
            } else {
            }
            %slice3A_296 = vector.extract_strided_slice %get3A_186 {offsets = [14], sizes = [1], strides = [1]} : vector<16xi32> to vector<1xi32>
            %squeeze3A_297 = vector.extract %slice3A_296[0] : i32 from vector<1xi32>
            %eq3A_298 = arith.constant 99999 : i32
            %eq3A_299 = arith.cmpi eq, %squeeze3A_297, %eq3A_298 : i32
            %convert_element_type3A_300 = arith.extui %eq3A_299 : i1 to i32
            %cond3A_301 = arith.constant 0 : i32
            %cond3A_302 = arith.cmpi ne, %convert_element_type3A_300, %cond3A_301 : i32
            scf.if %cond3A_302 {
              %get3A_310 = arith.constant 0 : index
              %get3A_311 = tpu.vector_load %arg7[%get3A_310] {strides = array<i32>} : memref<128xf32, #tpu.memory_space<vmem>>, vector<16xf32>,
              %mul3A_312 = arith.constant 16 : i32
              %mul3A_313 = arith.muli %scan3A_181, %mul3A_312 : i32
              %add3A_314 = arith.constant 14 : i32
              %add3A_315 = arith.addi %mul3A_313, %add3A_314 : i32
              %swap3A = arith.index_cast %rem3A_91 : i32 to index
              %swap3A_316 = arith.index_cast %add3A_315 : i32 to index
              %swap3A_317 = arith.constant 0 : index
              %swap3A_318 = tpu.vector_load %arg8[%swap3A, %swap3A_316, %swap3A_317] {strides = array<i32>} : memref<4x128x128xf32, #tpu.memory_space<vmem>>, vector<16xf32>,
              tpu.vector_store %arg8[%swap3A, %swap3A_316, %swap3A_317], %get3A_311 {strides = array<i32>} : memref<4x128x128xf32, #tpu.memory_space<vmem>>, vector<16xf32>,
              %get3A_319 = arith.constant 16 : index
              %get3A_320 = tpu.vector_load %arg7[%get3A_319] {strides = array<i32>} : memref<128xf32, #tpu.memory_space<vmem>>, vector<16xf32>,
              %mul3A_321 = arith.constant 16 : i32
              %mul3A_322 = arith.muli %scan3A_181, %mul3A_321 : i32
              %add3A_323 = arith.constant 14 : i32
              %add3A_324 = arith.addi %mul3A_322, %add3A_323 : i32
              %swap3A_325 = arith.index_cast %rem3A_91 : i32 to index
              %swap3A_326 = arith.index_cast %add3A_324 : i32 to index
              %swap3A_327 = arith.constant 16 : index
              %swap3A_328 = tpu.vector_load %arg8[%swap3A_325, %swap3A_326, %swap3A_327] {strides = array<i32>} : memref<4x128x128xf32, #tpu.memory_space<vmem>>, vector<16xf32>,
              tpu.vector_store %arg8[%swap3A_325, %swap3A_326, %swap3A_327], %get3A_320 {strides = array<i32>} : memref<4x128x128xf32, #tpu.memory_space<vmem>>, vector<16xf32>,
              %get3A_329 = arith.constant 32 : index
              %get3A_330 = tpu.vector_load %arg7[%get3A_329] {strides = array<i32>} : memref<128xf32, #tpu.memory_space<vmem>>, vector<16xf32>,
              %mul3A_331 = arith.constant 16 : i32
              %mul3A_332 = arith.muli %scan3A_181, %mul3A_331 : i32
              %add3A_333 = arith.constant 14 : i32
              %add3A_334 = arith.addi %mul3A_332, %add3A_333 : i32
              %swap3A_335 = arith.index_cast %rem3A_91 : i32 to index
              %swap3A_336 = arith.index_cast %add3A_334 : i32 to index
              %swap3A_337 = arith.constant 32 : index
              %swap3A_338 = tpu.vector_load %arg8[%swap3A_335, %swap3A_336, %swap3A_337] {strides = array<i32>} : memref<4x128x128xf32, #tpu.memory_space<vmem>>, vector<16xf32>,
              tpu.vector_store %arg8[%swap3A_335, %swap3A_336, %swap3A_337], %get3A_330 {strides = array<i32>} : memref<4x128x128xf32, #tpu.memory_space<vmem>>, vector<16xf32>,
              %get3A_339 = arith.constant 48 : index
              %get3A_340 = tpu.vector_load %arg7[%get3A_339] {strides = array<i32>} : memref<128xf32, #tpu.memory_space<vmem>>, vector<16xf32>,
              %mul3A_341 = arith.constant 16 : i32
              %mul3A_342 = arith.muli %scan3A_181, %mul3A_341 : i32
              %add3A_343 = arith.constant 14 : i32
              %add3A_344 = arith.addi %mul3A_342, %add3A_343 : i32
              %swap3A_345 = arith.index_cast %rem3A_91 : i32 to index
              %swap3A_346 = arith.index_cast %add3A_344 : i32 to index
              %swap3A_347 = arith.constant 48 : index
              %swap3A_348 = tpu.vector_load %arg8[%swap3A_345, %swap3A_346, %swap3A_347] {strides = array<i32>} : memref<4x128x128xf32, #tpu.memory_space<vmem>>, vector<16xf32>,
              tpu.vector_store %arg8[%swap3A_345, %swap3A_346, %swap3A_347], %get3A_340 {strides = array<i32>} : memref<4x128x128xf32, #tpu.memory_space<vmem>>, vector<16xf32>,
              %get3A_349 = arith.constant 64 : index
              %get3A_350 = tpu.vector_load %arg7[%get3A_349] {strides = array<i32>} : memref<128xf32, #tpu.memory_space<vmem>>, vector<16xf32>,
              %mul3A_351 = arith.constant 16 : i32
              %mul3A_352 = arith.muli %scan3A_181, %mul3A_351 : i32
              %add3A_353 = arith.constant 14 : i32
              %add3A_354 = arith.addi %mul3A_352, %add3A_353 : i32
              %swap3A_355 = arith.index_cast %rem3A_91 : i32 to index
              %swap3A_356 = arith.index_cast %add3A_354 : i32 to index
              %swap3A_357 = arith.constant 64 : index
              %swap3A_358 = tpu.vector_load %arg8[%swap3A_355, %swap3A_356, %swap3A_357] {strides = array<i32>} : memref<4x128x128xf32, #tpu.memory_space<vmem>>, vector<16xf32>,
              tpu.vector_store %arg8[%swap3A_355, %swap3A_356, %swap3A_357], %get3A_350 {strides = array<i32>} : memref<4x128x128xf32, #tpu.memory_space<vmem>>, vector<16xf32>,
              %get3A_359 = arith.constant 80 : index
              %get3A_360 = tpu.vector_load %arg7[%get3A_359] {strides = array<i32>} : memref<128xf32, #tpu.memory_space<vmem>>, vector<16xf32>,
              %mul3A_361 = arith.constant 16 : i32
              %mul3A_362 = arith.muli %scan3A_181, %mul3A_361 : i32
              %add3A_363 = arith.constant 14 : i32
              %add3A_364 = arith.addi %mul3A_362, %add3A_363 : i32
              %swap3A_365 = arith.index_cast %rem3A_91 : i32 to index
              %swap3A_366 = arith.index_cast %add3A_364 : i32 to index
              %swap3A_367 = arith.constant 80 : index
              %swap3A_368 = tpu.vector_load %arg8[%swap3A_365, %swap3A_366, %swap3A_367] {strides = array<i32>} : memref<4x128x128xf32, #tpu.memory_space<vmem>>, vector<16xf32>,
              tpu.vector_store %arg8[%swap3A_365, %swap3A_366, %swap3A_367], %get3A_360 {strides = array<i32>} : memref<4x128x128xf32, #tpu.memory_space<vmem>>, vector<16xf32>,
              %get3A_369 = arith.constant 96 : index
              %get3A_370 = tpu.vector_load %arg7[%get3A_369] {strides = array<i32>} : memref<128xf32, #tpu.memory_space<vmem>>, vector<16xf32>,
              %mul3A_371 = arith.constant 16 : i32
              %mul3A_372 = arith.muli %scan3A_181, %mul3A_371 : i32
              %add3A_373 = arith.constant 14 : i32
              %add3A_374 = arith.addi %mul3A_372, %add3A_373 : i32
              %swap3A_375 = arith.index_cast %rem3A_91 : i32 to index
              %swap3A_376 = arith.index_cast %add3A_374 : i32 to index
              %swap3A_377 = arith.constant 96 : index
              %swap3A_378 = tpu.vector_load %arg8[%swap3A_375, %swap3A_376, %swap3A_377] {strides = array<i32>} : memref<4x128x128xf32, #tpu.memory_space<vmem>>, vector<16xf32>,
              tpu.vector_store %arg8[%swap3A_375, %swap3A_376, %swap3A_377], %get3A_370 {strides = array<i32>} : memref<4x128x128xf32, #tpu.memory_space<vmem>>, vector<16xf32>,
              %get3A_379 = arith.constant 112 : index
              %get3A_380 = tpu.vector_load %arg7[%get3A_379] {strides = array<i32>} : memref<128xf32, #tpu.memory_space<vmem>>, vector<16xf32>,
              %mul3A_381 = arith.constant 16 : i32
              %mul3A_382 = arith.muli %scan3A_181, %mul3A_381 : i32
              %add3A_383 = arith.constant 14 : i32
              %add3A_384 = arith.addi %mul3A_382, %add3A_383 : i32
              %swap3A_385 = arith.index_cast %rem3A_91 : i32 to index
              %swap3A_386 = arith.index_cast %add3A_384 : i32 to index
              %swap3A_387 = arith.constant 112 : index
              %swap3A_388 = tpu.vector_load %arg8[%swap3A_385, %swap3A_386, %swap3A_387] {strides = array<i32>} : memref<4x128x128xf32, #tpu.memory_space<vmem>>, vector<16xf32>,
              tpu.vector_store %arg8[%swap3A_385, %swap3A_386, %swap3A_387], %get3A_380 {strides = array<i32>} : memref<4x128x128xf32, #tpu.memory_space<vmem>>, vector<16xf32>,
            } else {
            }
            %slice3A_303 = vector.extract_strided_slice %get3A_186 {offsets = [15], sizes = [1], strides = [1]} : vector<16xi32> to vector<1xi32>
            %squeeze3A_304 = vector.extract %slice3A_303[0] : i32 from vector<1xi32>
            %eq3A_305 = arith.constant 99999 : i32
            %eq3A_306 = arith.cmpi eq, %squeeze3A_304, %eq3A_305 : i32
            %convert_element_type3A_307 = arith.extui %eq3A_306 : i1 to i32
            %cond3A_308 = arith.constant 0 : i32
            %cond3A_309 = arith.cmpi ne, %convert_element_type3A_307, %cond3A_308 : i32
            scf.if %cond3A_309 {
              %get3A_310 = arith.constant 0 : index
              %get3A_311 = tpu.vector_load %arg7[%get3A_310] {strides = array<i32>} : memref<128xf32, #tpu.memory_space<vmem>>, vector<16xf32>,
              %mul3A_312 = arith.constant 16 : i32
              %mul3A_313 = arith.muli %scan3A_181, %mul3A_312 : i32
              %add3A_314 = arith.constant 15 : i32
              %add3A_315 = arith.addi %mul3A_313, %add3A_314 : i32
              %swap3A = arith.index_cast %rem3A_91 : i32 to index
              %swap3A_316 = arith.index_cast %add3A_315 : i32 to index
              %swap3A_317 = arith.constant 0 : index
              %swap3A_318 = tpu.vector_load %arg8[%swap3A, %swap3A_316, %swap3A_317] {strides = array<i32>} : memref<4x128x128xf32, #tpu.memory_space<vmem>>, vector<16xf32>,
              tpu.vector_store %arg8[%swap3A, %swap3A_316, %swap3A_317], %get3A_311 {strides = array<i32>} : memref<4x128x128xf32, #tpu.memory_space<vmem>>, vector<16xf32>,
              %get3A_319 = arith.constant 16 : index
              %get3A_320 = tpu.vector_load %arg7[%get3A_319] {strides = array<i32>} : memref<128xf32, #tpu.memory_space<vmem>>, vector<16xf32>,
              %mul3A_321 = arith.constant 16 : i32
              %mul3A_322 = arith.muli %scan3A_181, %mul3A_321 : i32
              %add3A_323 = arith.constant 15 : i32
              %add3A_324 = arith.addi %mul3A_322, %add3A_323 : i32
              %swap3A_325 = arith.index_cast %rem3A_91 : i32 to index
              %swap3A_326 = arith.index_cast %add3A_324 : i32 to index
              %swap3A_327 = arith.constant 16 : index
              %swap3A_328 = tpu.vector_load %arg8[%swap3A_325, %swap3A_326, %swap3A_327] {strides = array<i32>} : memref<4x128x128xf32, #tpu.memory_space<vmem>>, vector<16xf32>,
              tpu.vector_store %arg8[%swap3A_325, %swap3A_326, %swap3A_327], %get3A_320 {strides = array<i32>} : memref<4x128x128xf32, #tpu.memory_space<vmem>>, vector<16xf32>,
              %get3A_329 = arith.constant 32 : index
              %get3A_330 = tpu.vector_load %arg7[%get3A_329] {strides = array<i32>} : memref<128xf32, #tpu.memory_space<vmem>>, vector<16xf32>,
              %mul3A_331 = arith.constant 16 : i32
              %mul3A_332 = arith.muli %scan3A_181, %mul3A_331 : i32
              %add3A_333 = arith.constant 15 : i32
              %add3A_334 = arith.addi %mul3A_332, %add3A_333 : i32
              %swap3A_335 = arith.index_cast %rem3A_91 : i32 to index
              %swap3A_336 = arith.index_cast %add3A_334 : i32 to index
              %swap3A_337 = arith.constant 32 : index
              %swap3A_338 = tpu.vector_load %arg8[%swap3A_335, %swap3A_336, %swap3A_337] {strides = array<i32>} : memref<4x128x128xf32, #tpu.memory_space<vmem>>, vector<16xf32>,
              tpu.vector_store %arg8[%swap3A_335, %swap3A_336, %swap3A_337], %get3A_330 {strides = array<i32>} : memref<4x128x128xf32, #tpu.memory_space<vmem>>, vector<16xf32>,
              %get3A_339 = arith.constant 48 : index
              %get3A_340 = tpu.vector_load %arg7[%get3A_339] {strides = array<i32>} : memref<128xf32, #tpu.memory_space<vmem>>, vector<16xf32>,
              %mul3A_341 = arith.constant 16 : i32
              %mul3A_342 = arith.muli %scan3A_181, %mul3A_341 : i32
              %add3A_343 = arith.constant 15 : i32
              %add3A_344 = arith.addi %mul3A_342, %add3A_343 : i32
              %swap3A_345 = arith.index_cast %rem3A_91 : i32 to index
              %swap3A_346 = arith.index_cast %add3A_344 : i32 to index
              %swap3A_347 = arith.constant 48 : index
              %swap3A_348 = tpu.vector_load %arg8[%swap3A_345, %swap3A_346, %swap3A_347] {strides = array<i32>} : memref<4x128x128xf32, #tpu.memory_space<vmem>>, vector<16xf32>,
              tpu.vector_store %arg8[%swap3A_345, %swap3A_346, %swap3A_347], %get3A_340 {strides = array<i32>} : memref<4x128x128xf32, #tpu.memory_space<vmem>>, vector<16xf32>,
              %get3A_349 = arith.constant 64 : index
              %get3A_350 = tpu.vector_load %arg7[%get3A_349] {strides = array<i32>} : memref<128xf32, #tpu.memory_space<vmem>>, vector<16xf32>,
              %mul3A_351 = arith.constant 16 : i32
              %mul3A_352 = arith.muli %scan3A_181, %mul3A_351 : i32
              %add3A_353 = arith.constant 15 : i32
              %add3A_354 = arith.addi %mul3A_352, %add3A_353 : i32
              %swap3A_355 = arith.index_cast %rem3A_91 : i32 to index
              %swap3A_356 = arith.index_cast %add3A_354 : i32 to index
              %swap3A_357 = arith.constant 64 : index
              %swap3A_358 = tpu.vector_load %arg8[%swap3A_355, %swap3A_356, %swap3A_357] {strides = array<i32>} : memref<4x128x128xf32, #tpu.memory_space<vmem>>, vector<16xf32>,
              tpu.vector_store %arg8[%swap3A_355, %swap3A_356, %swap3A_357], %get3A_350 {strides = array<i32>} : memref<4x128x128xf32, #tpu.memory_space<vmem>>, vector<16xf32>,
              %get3A_359 = arith.constant 80 : index
              %get3A_360 = tpu.vector_load %arg7[%get3A_359] {strides = array<i32>} : memref<128xf32, #tpu.memory_space<vmem>>, vector<16xf32>,
              %mul3A_361 = arith.constant 16 : i32
              %mul3A_362 = arith.muli %scan3A_181, %mul3A_361 : i32
              %add3A_363 = arith.constant 15 : i32
              %add3A_364 = arith.addi %mul3A_362, %add3A_363 : i32
              %swap3A_365 = arith.index_cast %rem3A_91 : i32 to index
              %swap3A_366 = arith.index_cast %add3A_364 : i32 to index
              %swap3A_367 = arith.constant 80 : index
              %swap3A_368 = tpu.vector_load %arg8[%swap3A_365, %swap3A_366, %swap3A_367] {strides = array<i32>} : memref<4x128x128xf32, #tpu.memory_space<vmem>>, vector<16xf32>,
              tpu.vector_store %arg8[%swap3A_365, %swap3A_366, %swap3A_367], %get3A_360 {strides = array<i32>} : memref<4x128x128xf32, #tpu.memory_space<vmem>>, vector<16xf32>,
              %get3A_369 = arith.constant 96 : index
              %get3A_370 = tpu.vector_load %arg7[%get3A_369] {strides = array<i32>} : memref<128xf32, #tpu.memory_space<vmem>>, vector<16xf32>,
              %mul3A_371 = arith.constant 16 : i32
              %mul3A_372 = arith.muli %scan3A_181, %mul3A_371 : i32
              %add3A_373 = arith.constant 15 : i32
              %add3A_374 = arith.addi %mul3A_372, %add3A_373 : i32
              %swap3A_375 = arith.index_cast %rem3A_91 : i32 to index
              %swap3A_376 = arith.index_cast %add3A_374 : i32 to index
              %swap3A_377 = arith.constant 96 : index
              %swap3A_378 = tpu.vector_load %arg8[%swap3A_375, %swap3A_376, %swap3A_377] {strides = array<i32>} : memref<4x128x128xf32, #tpu.memory_space<vmem>>, vector<16xf32>,
              tpu.vector_store %arg8[%swap3A_375, %swap3A_376, %swap3A_377], %get3A_370 {strides = array<i32>} : memref<4x128x128xf32, #tpu.memory_space<vmem>>, vector<16xf32>,
              %get3A_379 = arith.constant 112 : index
              %get3A_380 = tpu.vector_load %arg7[%get3A_379] {strides = array<i32>} : memref<128xf32, #tpu.memory_space<vmem>>, vector<16xf32>,
              %mul3A_381 = arith.constant 16 : i32
              %mul3A_382 = arith.muli %scan3A_181, %mul3A_381 : i32
              %add3A_383 = arith.constant 15 : i32
              %add3A_384 = arith.addi %mul3A_382, %add3A_383 : i32
              %swap3A_385 = arith.index_cast %rem3A_91 : i32 to index
              %swap3A_386 = arith.index_cast %add3A_384 : i32 to index
              %swap3A_387 = arith.constant 112 : index
              %swap3A_388 = tpu.vector_load %arg8[%swap3A_385, %swap3A_386, %swap3A_387] {strides = array<i32>} : memref<4x128x128xf32, #tpu.memory_space<vmem>>, vector<16xf32>,
              tpu.vector_store %arg8[%swap3A_385, %swap3A_386, %swap3A_387], %get3A_380 {strides = array<i32>} : memref<4x128x128xf32, #tpu.memory_space<vmem>>, vector<16xf32>,
            } else {
            }
          } else {
          }
        }
        %scan3A_180 = arith.constant 8 : i32
      } else {
      }
      %rem3A_146 = arith.constant 4 : i32
      %rem3A_147 = arith.remsi %scan3A_75, %rem3A_146 : i32
      %mul3A_148 = arith.constant 128 : i32
      %mul3A_149 = arith.muli %scan3A_75, %mul3A_148 : i32
      %add3A_150 = arith.addi %mul3A_2, %mul3A_149 : i32
      %dma_start3A_151 = arith.constant 0 : i32
      %dma_start3A_152 = arith.constant 0 : i32
      %dma_start3A_153 = tpu.memref_slice %arg8[%rem3A_147, %dma_start3A_151, %dma_start3A_152] : memref<4x128x128xf32, #tpu.memory_space<vmem>> -> memref<1x128x128xf32, #tpu.memory_space<vmem>>
      %dma_start3A_154 = tpu.memref_squeeze %dma_start3A_153 : memref<1x128x128xf32, #tpu.memory_space<vmem>> -> memref<128x128xf32, #tpu.memory_space<vmem>>
      %dma_start3A_155 = arith.constant 0 : i32
      %dma_start3A_156 = tpu.memref_slice %arg5[%add3A_150, %dma_start3A_155] : memref<204800x128xf32, #tpu.memory_space<hbm>> -> memref<128x128xf32, #tpu.memory_space<hbm>>
      %dma_start3A_157 = tpu.memref_slice %arg10[%rem3A_147] : memref<4x!tpu.dma_semaphore, #tpu.memory_space<semaphore_mem>> -> memref<1x!tpu.dma_semaphore, #tpu.memory_space<semaphore_mem>>
      %dma_start3A_158 = tpu.memref_squeeze %dma_start3A_157 : memref<1x!tpu.dma_semaphore, #tpu.memory_space<semaphore_mem>> -> memref<!tpu.dma_semaphore, #tpu.memory_space<semaphore_mem>>
      %dma_start3A_159 = arith.constant 0 : i32
      %dma_start3A_160 = tpu.memref_slice %arg5[%add3A_150, %dma_start3A_159] : memref<204800x128xf32, #tpu.memory_space<hbm>> -> memref<128x128xf32, #tpu.memory_space<hbm>>
      %dma_start3A_161 = arith.constant 0 : i32
      %dma_start3A_162 = arith.constant 0 : i32
      %dma_start3A_163 = tpu.memref_slice %arg8[%rem3A_147, %dma_start3A_161, %dma_start3A_162] : memref<4x128x128xf32, #tpu.memory_space<vmem>> -> memref<1x128x128xf32, #tpu.memory_space<vmem>>
      %dma_start3A_164 = tpu.memref_squeeze %dma_start3A_163 : memref<1x128x128xf32, #tpu.memory_space<vmem>> -> memref<128x128xf32, #tpu.memory_space<vmem>>
      tpu.enqueue_dma source(%dma_start3A_164 : memref<128x128xf32, #tpu.memory_space<vmem>>) target(%dma_start3A_160 : memref<128x128xf32, #tpu.memory_space<hbm>>) target_semaphore(%dma_start3A_158 : memref<!tpu.dma_semaphore, #tpu.memory_space<semaphore_mem>>)
      %ge3A = arith.constant 2 : i32
      %ge3A_165 = arith.cmpi sge, %scan3A_75, %ge3A : i32
      %convert_element_type3A_166 = arith.extui %ge3A_165 : i1 to i32
      %cond3A_167 = arith.constant 0 : i32
      %cond3A_168 = arith.cmpi ne, %convert_element_type3A_166, %cond3A_167 : i32
      scf.if %cond3A_168 {
        %sub3A = arith.constant 2 : i32
        %sub3A_175 = arith.subi %scan3A_75, %sub3A : i32
        %rem3A_176 = arith.constant 4 : i32
        %rem3A_177 = arith.remsi %sub3A_175, %rem3A_176 : i32
        %mul3A_178 = arith.constant 128 : i32
        %mul3A_179 = arith.muli %sub3A_175, %mul3A_178 : i32
        %add3A_180 = arith.addi %mul3A_2, %mul3A_179 : i32
        %dma_wait3A_181 = arith.constant 0 : i32
        %dma_wait3A_182 = arith.constant 0 : i32
        %dma_wait3A_183 = tpu.memref_slice %arg8[%rem3A_177, %dma_wait3A_181, %dma_wait3A_182] : memref<4x128x128xf32, #tpu.memory_space<vmem>> -> memref<1x128x128xf32, #tpu.memory_space<vmem>>
        %dma_wait3A_184 = tpu.memref_squeeze %dma_wait3A_183 : memref<1x128x128xf32, #tpu.memory_space<vmem>> -> memref<128x128xf32, #tpu.memory_space<vmem>>
        %dma_wait3A_185 = arith.constant 0 : i32
        %dma_wait3A_186 = tpu.memref_slice %arg5[%add3A_180, %dma_wait3A_185] : memref<204800x128xf32, #tpu.memory_space<hbm>> -> memref<128x128xf32, #tpu.memory_space<hbm>>
        %dma_wait3A_187 = tpu.memref_slice %arg10[%rem3A_177] : memref<4x!tpu.dma_semaphore, #tpu.memory_space<semaphore_mem>> -> memref<1x!tpu.dma_semaphore, #tpu.memory_space<semaphore_mem>>
        %dma_wait3A_188 = tpu.memref_squeeze %dma_wait3A_187 : memref<1x!tpu.dma_semaphore, #tpu.memory_space<semaphore_mem>> -> memref<!tpu.dma_semaphore, #tpu.memory_space<semaphore_mem>>
        %dma_wait3A_189 = arith.constant 0 : i32
        %dma_wait3A_190 = tpu.memref_slice %arg5[%add3A_180, %dma_wait3A_189] : memref<204800x128xf32, #tpu.memory_space<hbm>> -> memref<128x128xf32, #tpu.memory_space<hbm>>
        %dma_wait3A_191 = arith.constant 0 : i32
        %dma_wait3A_192 = arith.constant 0 : i32
        %dma_wait3A_193 = tpu.memref_slice %arg8[%rem3A_177, %dma_wait3A_191, %dma_wait3A_192] : memref<4x128x128xf32, #tpu.memory_space<vmem>> -> memref<1x128x128xf32, #tpu.memory_space<vmem>>
        %dma_wait3A_194 = tpu.memref_squeeze %dma_wait3A_193 : memref<1x128x128xf32, #tpu.memory_space<vmem>> -> memref<128x128xf32, #tpu.memory_space<vmem>>
        tpu.wait_dma2 semaphore(%dma_wait3A_188 : memref<!tpu.dma_semaphore, #tpu.memory_space<semaphore_mem>>) src(%dma_wait3A_194 : memref<128x128xf32, #tpu.memory_space<vmem>>) dst(%dma_wait3A_190 : memref<128x128xf32, #tpu.memory_space<hbm>>)
      } else {
      }
      %add3A_169 = arith.constant 2 : i32
      %add3A_170 = arith.addi %scan3A_75, %add3A_169 : i32
      %lt3A = arith.constant 50 : i32
      %lt3A_171 = arith.cmpi slt, %add3A_170, %lt3A : i32
      %convert_element_type3A_172 = arith.extui %lt3A_171 : i1 to i32
      %cond3A_173 = arith.constant 0 : i32
      %cond3A_174 = arith.cmpi ne, %convert_element_type3A_172, %cond3A_173 : i32
      scf.if %cond3A_174 {
        %add3A_175 = arith.constant 2 : i32
        %add3A_176 = arith.addi %scan3A_75, %add3A_175 : i32
        %rem3A_177 = arith.constant 4 : i32
        %rem3A_178 = arith.remsi %add3A_176, %rem3A_177 : i32
        %dma_start3A_179 = arith.constant 0 : i32
        %dma_start3A_180 = arith.constant 0 : i32
        %dma_start3A_181 = tpu.memref_slice %arg8[%rem3A_178, %dma_start3A_179, %dma_start3A_180] : memref<4x128x128xf32, #tpu.memory_space<vmem>> -> memref<1x128x128xf32, #tpu.memory_space<vmem>>
        %dma_start3A_182 = tpu.memref_squeeze %dma_start3A_181 : memref<1x128x128xf32, #tpu.memory_space<vmem>> -> memref<128x128xf32, #tpu.memory_space<vmem>>
        %dma_start3A_183 = arith.constant 0 : i32
        %dma_start3A_184 = tpu.memref_slice %arg6[%add3A_176, %dma_start3A_183] : memref<50x128xi32, #tpu.memory_space<vmem>> -> memref<1x128xi32, #tpu.memory_space<vmem>>
        %dma_start3A_185 = tpu.memref_squeeze %dma_start3A_184 : memref<1x128xi32, #tpu.memory_space<vmem>> -> memref<128xi32, #tpu.memory_space<vmem>>
        %dma_start3A_186 = arith.constant 0 : i32
        %dma_start3A_187 = arith.constant 0 : i32
        %dma_start3A_188 = tpu.memref_slice %arg3[%dma_start3A_186, %dma_start3A_187] : memref<100000x128xf32, #tpu.memory_space<hbm>> -> memref<100000x128xf32, #tpu.memory_space<hbm>>
        %dma_start3A_189 = tpu.memref_slice %arg9[%rem3A_178] : memref<4x!tpu.dma_semaphore, #tpu.memory_space<semaphore_mem>> -> memref<1x!tpu.dma_semaphore, #tpu.memory_space<semaphore_mem>>
        %dma_start3A_190 = tpu.memref_squeeze %dma_start3A_189 : memref<1x!tpu.dma_semaphore, #tpu.memory_space<semaphore_mem>> -> memref<!tpu.dma_semaphore, #tpu.memory_space<semaphore_mem>>
        tpu.enqueue_indirect_dma source(%dma_start3A_188 : memref<100000x128xf32, #tpu.memory_space<hbm>>) target(%dma_start3A_182 : memref<128x128xf32, #tpu.memory_space<vmem>>) offsets(%dma_start3A_185 : memref<128xi32, #tpu.memory_space<vmem>>) semaphore(%dma_start3A_190 : memref<!tpu.dma_semaphore, #tpu.memory_space<semaphore_mem>>)
      } else {
      }
    }
    %scan3A_37 = arith.constant 50 : i32
    %rem3A_38 = arith.constant 48 : i32
    %rem3A_39 = arith.constant 4 : i32
    %rem3A_40 = arith.remsi %rem3A_38, %rem3A_39 : i32
    %add3A_41 = arith.constant 6144 : i32
    %add3A_42 = arith.addi %mul3A_2, %add3A_41 : i32
    %dma_wait3A = arith.constant 0 : i32
    %dma_wait3A_43 = arith.constant 0 : i32
    %dma_wait3A_44 = tpu.memref_slice %arg8[%rem3A_40, %dma_wait3A, %dma_wait3A_43] : memref<4x128x128xf32, #tpu.memory_space<vmem>> -> memref<1x128x128xf32, #tpu.memory_space<vmem>>
    %dma_wait3A_45 = tpu.memref_squeeze %dma_wait3A_44 : memref<1x128x128xf32, #tpu.memory_space<vmem>> -> memref<128x128xf32, #tpu.memory_space<vmem>>
    %dma_wait3A_46 = arith.constant 0 : i32
    %dma_wait3A_47 = tpu.memref_slice %arg5[%add3A_42, %dma_wait3A_46] : memref<204800x128xf32, #tpu.memory_space<hbm>> -> memref<128x128xf32, #tpu.memory_space<hbm>>
    %dma_wait3A_48 = tpu.memref_slice %arg10[%rem3A_40] : memref<4x!tpu.dma_semaphore, #tpu.memory_space<semaphore_mem>> -> memref<1x!tpu.dma_semaphore, #tpu.memory_space<semaphore_mem>>
    %dma_wait3A_49 = tpu.memref_squeeze %dma_wait3A_48 : memref<1x!tpu.dma_semaphore, #tpu.memory_space<semaphore_mem>> -> memref<!tpu.dma_semaphore, #tpu.memory_space<semaphore_mem>>
    %dma_wait3A_50 = arith.constant 0 : i32
    %dma_wait3A_51 = tpu.memref_slice %arg5[%add3A_42, %dma_wait3A_50] : memref<204800x128xf32, #tpu.memory_space<hbm>> -> memref<128x128xf32, #tpu.memory_space<hbm>>
    %dma_wait3A_52 = arith.constant 0 : i32
    %dma_wait3A_53 = arith.constant 0 : i32
    %dma_wait3A_54 = tpu.memref_slice %arg8[%rem3A_40, %dma_wait3A_52, %dma_wait3A_53] : memref<4x128x128xf32, #tpu.memory_space<vmem>> -> memref<1x128x128xf32, #tpu.memory_space<vmem>>
    %dma_wait3A_55 = tpu.memref_squeeze %dma_wait3A_54 : memref<1x128x128xf32, #tpu.memory_space<vmem>> -> memref<128x128xf32, #tpu.memory_space<vmem>>
    tpu.wait_dma2 semaphore(%dma_wait3A_49 : memref<!tpu.dma_semaphore, #tpu.memory_space<semaphore_mem>>) src(%dma_wait3A_55 : memref<128x128xf32, #tpu.memory_space<vmem>>) dst(%dma_wait3A_51 : memref<128x128xf32, #tpu.memory_space<hbm>>)
    %rem3A_56 = arith.constant 49 : i32
    %rem3A_57 = arith.constant 4 : i32
    %rem3A_58 = arith.remsi %rem3A_56, %rem3A_57 : i32
    %add3A_59 = arith.constant 6272 : i32
    %add3A_60 = arith.addi %mul3A_2, %add3A_59 : i32
    %dma_wait3A_61 = arith.constant 0 : i32
    %dma_wait3A_62 = arith.constant 0 : i32
    %dma_wait3A_63 = tpu.memref_slice %arg8[%rem3A_58, %dma_wait3A_61, %dma_wait3A_62] : memref<4x128x128xf32, #tpu.memory_space<vmem>> -> memref<1x128x128xf32, #tpu.memory_space<vmem>>
    %dma_wait3A_64 = tpu.memref_squeeze %dma_wait3A_63 : memref<1x128x128xf32, #tpu.memory_space<vmem>> -> memref<128x128xf32, #tpu.memory_space<vmem>>
    %dma_wait3A_65 = arith.constant 0 : i32
    %dma_wait3A_66 = tpu.memref_slice %arg5[%add3A_60, %dma_wait3A_65] : memref<204800x128xf32, #tpu.memory_space<hbm>> -> memref<128x128xf32, #tpu.memory_space<hbm>>
    %dma_wait3A_67 = tpu.memref_slice %arg10[%rem3A_58] : memref<4x!tpu.dma_semaphore, #tpu.memory_space<semaphore_mem>> -> memref<1x!tpu.dma_semaphore, #tpu.memory_space<semaphore_mem>>
    %dma_wait3A_68 = tpu.memref_squeeze %dma_wait3A_67 : memref<1x!tpu.dma_semaphore, #tpu.memory_space<semaphore_mem>> -> memref<!tpu.dma_semaphore, #tpu.memory_space<semaphore_mem>>
    %dma_wait3A_69 = arith.constant 0 : i32
    %dma_wait3A_70 = tpu.memref_slice %arg5[%add3A_60, %dma_wait3A_69] : memref<204800x128xf32, #tpu.memory_space<hbm>> -> memref<128x128xf32, #tpu.memory_space<hbm>>
    %dma_wait3A_71 = arith.constant 0 : i32
    %dma_wait3A_72 = arith.constant 0 : i32
    %dma_wait3A_73 = tpu.memref_slice %arg8[%rem3A_58, %dma_wait3A_71, %dma_wait3A_72] : memref<4x128x128xf32, #tpu.memory_space<vmem>> -> memref<1x128x128xf32, #tpu.memory_space<vmem>>
    %dma_wait3A_74 = tpu.memref_squeeze %dma_wait3A_73 : memref<1x128x128xf32, #tpu.memory_space<vmem>> -> memref<128x128xf32, #tpu.memory_space<vmem>>
    tpu.wait_dma2 semaphore(%dma_wait3A_68 : memref<!tpu.dma_semaphore, #tpu.memory_space<semaphore_mem>>) src(%dma_wait3A_74 : memref<128x128xf32, #tpu.memory_space<vmem>>) dst(%dma_wait3A_70 : memref<128x128xf32, #tpu.memory_space<hbm>>)
    return
  }
}

</mosaic_0001>

<sc_bundles>
// kernel: kernel.3.cloned.1.call-start
scs
__scs_entry_jumppad:
0x0: {  	(pc) =	sbr.rel $0x88, $3  }
0x1: {  	(tag) =	ssettag $0x0;
	lr =	simm.s32 $0x1  }
0x2: {  	[smem:$0x3F9E] =	sst lr;
	_ =	strace $0xD0000000  }
0x3: {  	_ = 	snop  }
0x4: {  	_ = 	snop  }
0x5: {  	_ = 	snop  }
0x6: {  	_ = 	snop  }
0x7: {  	_ = 	snop  }
__scs_overlays_trampoline_lowered:
0x8: {  	[smem:$0x3FAD] =	sst s0  }
0x9: {  	[smem:$0x3FAE] =	sst s1  }
0xa: {  	[smem:$0x3FAF] =	sst s2  }
0xb: {  	[smem:$0x3FB0] =	sst s3  }
0xc: {  	[smem:$0x3FB1] =	sst s4  }
0xd: {  	[smem:$0x3FB2] =	sst s5  }
0xe: {  	[smem:$0x3FB3] =	sst s6  }
0xf: {  	[smem:$0x3FB4] =	sst s7  }
0x10: {  	[smem:$0x3FB5] =	sst s8  }
0x11: {  	[smem:$0x3FB6] =	sst s9;
	s0 =	simm.s32 @!p0 $0x0  }
0x12: {  	s1 =	sld [smem:$0x3F9C];
	s0 =	simm.s32 @p0 $0x1  }
0x13: {  	[smem:$0x3FB7] =	sst s0;
	s0 =	simm.s32 @!p1 $0x0  }
0x14: {  	s2 =	sld [smem:$0x3F9B];
	s0 =	simm.s32 @p1 $0x1  }
0x15: {  	[smem:$0x3FB8] =	sst s0;
	s0 =	simm.s32 @!p2 $0x0  }
0x16: {  	s3 =	sld [smem:$0x3FDB];
	s0 =	simm.s32 @p2 $0x1  }
0x17: {  	s4 =	simm.s32 $0x1BF5;
	[smem:$0x3FBA] =	sst s0  }
0x18: {  	s0 =	sld [smem:$0x3F9D];
	_ =	swait.ge [sflag:s4], $0x0  }
0x19: {  	s7 =	sld [smem:$0x3F9E]  }
0x1a: {  	s8 =	sadd.s32 $0xFFFFE003, lr  }
0x1b: {  	s9 =	sadd.s32 $0xFFFFFEF7, lr;
	s5 =	simm.s32 $0xFFFFFFFF;
	p2 =	slt.u32 s8, $0xFFFFF086  }
0x1c: {  	p1 =	slt.u32 s9, $0xF7A;
	s5 =	simm.s32 @!p2 $0x0  }
0x1d: {  	s5 =	simm.s32 @p1 $0x1;
	p0 =	seq.s32 s7, s2  }
0x1e: {  	s7 =	smul.u32 @!p0 $0xF7A, s2;
	p2 =	seq.s32 @!p0 s5, $0x0  }
0x1f: {  	s9 =	smul.u32 $0xF7A, s1;
	s8 =	simm.s32 @!p0 $0x1BF5;
	p2 =	por !p2, p0  }
0x20: {  	[sflag:s8] =	ssyncset.s32 @!p0 $0xFFFFF086;
	s6 =	sadd.s32 @!p0 s3, s7;
	s7 =	simm.s32 @!p0 $0x108  }
0x21: {  	s3 =	sadd.s32 s3, s9;
	s6 =	sadd.s32 @!p0 $0x88, s6;
	s7 =	simm.s32 @p2 $0x1082  }
0x22: {  	[simem:s7], [sflag:s8] =	dma.local @!p0 [hbm:s6], $0xF7A  }
0x23: {  	s9 =	sor.u32 $0xD0000000, s2;
	s6 =	simm.s32 $0x108;
	_ =	swait.ge @!p0 [sflag:s8], $0x0  }
0x24: {  	s3 =	sadd.s32 $0x88, s3;
	s6 =	simm.s32 @!p1 $0x1082;
	[sflag:s4] =	ssyncset.s32 $0xFFFFF086  }
0x25: {  	[simem:s6], [sflag:s4] =	dma.local [hbm:s3], $0xF7A  }
0x26: {  	[smem:$0x3F9E] =	sst s1;
	(tag) =	ssettag s2;
	_ =	strace s9  }
0x27: {  	s1 =	sld [smem:$0x3FAE]  }
0x28: {  	s2 =	sld [smem:$0x3FAF]  }
0x29: {  	s4 =	sld [smem:$0x3FB1]  }
0x2a: {  	p0 =	seq.s32 s5, $0x0;
	s5 =	sld [smem:$0x3FB2]  }
0x2b: {  	s6 =	sld [smem:$0x3FB3]  }
0x2c: {  	s7 =	sld [smem:$0x3FB4]  }
0x2d: {  	s3 =	simm.s32 $0x108;
	s8 =	sld [smem:$0x3FB5]  }
0x2e: {  	s3 =	simm.s32 @!p0 $0x1082;
	s9 =	sld [smem:$0x3FB6]  }
0x2f: {  	lr =	sadd.s32 s0, s3;
	s0 =	sld [smem:$0x3FAD]  }
0x30: {  	s3 =	sld [smem:$0x3FB0]  }
0x31: {  	[smem:$0x3FB9] =	sst s10  }
0x32: {  	s10 =	sld [smem:$0x3FB7];
	_ =	sdelay $0x3  }
0x33: {  	p0 =	seq.s32 s10, $0x1;
	s10 =	sld [smem:$0x3FB9];
	_ =	sdelay $0x3  }
0x34: {  	[smem:$0x3FB9] =	sst s10  }
0x35: {  	s10 =	sld [smem:$0x3FB8];
	_ =	sdelay $0x3  }
0x36: {  	p1 =	seq.s32 s10, $0x1;
	s10 =	sld [smem:$0x3FB9];
	_ =	sdelay $0x3  }
0x37: {  	[smem:$0x3FB9] =	sst s10  }
0x38: {  	s10 =	sld [smem:$0x3FBA]  }
0x39: {  	_ = 	snop;
	(pc) =	sbr.ind lr, $3  }
0x3a: {  	_ = 	snop  }
0x3b: {  	_ = 	snop  }
0x3c: {  	p2 =	seq.s32 s10, $0x1;
	s10 =	sld [smem:$0x3FB9]  }
0x3d: {  	_ =	shalt  }
0x3e: {  	_ =	shalt  }
0x3f: {  	_ =	shalt  }
0x40: {  	_ =	shalt  }
0x41: {  	_ =	shalt  }
0x42: {  	_ =	shalt  }
0x43: {  	_ =	shalt  }
0x44: {  	_ =	shalt  }
0x45: {  	_ =	shalt  }
0x46: {  	_ =	shalt  }
0x47: {  	_ =	shalt  }
0x48: {  	_ =	shalt  }
0x49: {  	_ =	shalt  }
0x4a: {  	_ =	shalt  }
0x4b: {  	_ =	shalt  }
0x4c: {  	_ =	shalt  }
0x4d: {  	_ =	shalt  }
0x4e: {  	_ =	shalt  }
0x4f: {  	_ =	shalt  }
0x50: {  	_ =	shalt  }
0x51: {  	_ =	shalt  }
0x52: {  	_ =	shalt  }
0x53: {  	_ =	shalt  }
0x54: {  	_ =	shalt  }
0x55: {  	_ =	shalt  }
0x56: {  	_ =	shalt  }
0x57: {  	_ =	shalt  }
0x58: {  	_ =	shalt  }
0x59: {  	_ =	shalt  }
0x5a: {  	_ =	shalt  }
0x5b: {  	_ =	shalt  }
0x5c: {  	_ =	shalt  }
0x5d: {  	_ =	shalt  }
0x5e: {  	_ =	shalt  }
0x5f: {  	_ =	shalt  }
0x60: {  	_ =	shalt  }
0x61: {  	_ =	shalt  }
0x62: {  	_ =	shalt  }
0x63: {  	_ =	shalt  }
0x64: {  	_ =	shalt  }
0x65: {  	_ =	shalt  }
0x66: {  	_ =	shalt  }
0x67: {  	_ =	shalt  }
0x68: {  	_ =	shalt  }
0x69: {  	_ =	shalt  }
0x6a: {  	_ =	shalt  }
0x6b: {  	_ =	shalt  }
0x6c: {  	_ =	shalt  }
0x6d: {  	_ =	shalt  }
0x6e: {  	_ =	shalt  }
0x6f: {  	_ =	shalt  }
0x70: {  	_ =	shalt  }
0x71: {  	_ =	shalt  }
0x72: {  	_ =	shalt  }
0x73: {  	_ =	shalt  }
0x74: {  	_ =	shalt  }
0x75: {  	_ =	shalt  }
0x76: {  	_ =	shalt  }
0x77: {  	_ =	shalt  }
0x78: {  	_ =	shalt  }
0x79: {  	_ =	shalt  }
0x7a: {  	_ =	shalt  }
0x7b: {  	_ =	shalt  }
0x7c: {  	_ =	shalt  }
0x7d: {  	_ =	shalt  }
0x7e: {  	_ =	shalt  }
0x7f: {  	_ =	shalt  }
0x80: {  	_ =	shalt  }
0x81: {  	_ =	shalt  }
0x82: {  	_ =	shalt  }
0x83: {  	_ =	shalt  }
0x84: {  	_ =	shalt  }
0x85: {  	_ =	shalt  }
0x86: {  	_ =	shalt  }
0x87: {  	_ =	shalt  }
.Lfunc_end0:
.L_simem_size_0:
called_computation_lowered:
.L_overlay_start_0:
0x88: {  	s2 =	sld [smem:$0x3FD9]  }
0x89: {  	s3 =	sld [smem:$0x3FFE];
	_ =	sdelay $0x1  }
0x8a: {  	s1 =	srdreg.scid  }
0x8b: {  	s0 =	sand.u32 $0x1, s1  }
0x8c: {  	s17 =	sshll.u32 s0, $0xA;
	s2 =	sadd.s32 s3, s2  }
0x8d: {  	s2 =	sadd.s32 s2, s17  }
0x8e: {  	[smem:$0x3FC5] =	sst s2  }
0x8f: {  	_ = 	snop  }
0x90: {  	s2 =	sld [smem:$0x3FC8]  }
0x91: {  	s18 =	sld [smem:$0x3FC7]  }
0x92: {  	s4 =	sld [smem:$0x3FD0];
	(tm) =	ssettm $0x1  }
0x93: {  	s5 =	sld [smem:$0x3FFB];
	_ =	sdelay $0x3  }
0x94: {  	_ =	strace s5  }
0x95: {  	s5 =	sld [smem:$0x3FFC];
	_ =	sdelay $0x3  }
0x96: {  	_ =	strace s5  }
0x97: {  	s5 =	sld [smem:$0x3FFD];
	_ =	sdelay $0x3  }
0x98: {  	_ =	strace s5  }
0x99: {  	_ =	strace $0x8FFFFFFF  }
0x9a: {  	s19 =	sld [smem:$0x3FDB];
	_ =	sdelay $0x1  }
0x9b: {  	s6 =	simm.s32 $_scs_section_size  }
0x9c: {  	s7 =	simm.s32 $_size__tile_overlayer_lowered;
	s8 =	simm.s32 $_tile_overlayer_lowered  }
0x9d: {  	s22 =	simm.s32 $0x1BFF;
	s21 =	sshll.u32 s8, $0x1;
	s5 =	sadd.s32 s6, s19  }
0x9e: {  	s9 =	simm.s32 $0x0;
	s20 =	sshll.u32 s7, $0x1;
	s7 =	sadd.s32 s21, s5  }
0x9f: {  	[timem:s9], [sflag:s22] =	dma.local [hbm:s7], s20  }
0xa0: {  	_ =	swait.ge [sflag:s22], s20  }
0xa1: {  	s6 =	ssub.s32 $0x0, s20;
	[sflag:s22] =	ssyncset.done $0x0  }
0xa2: {  	[sflag:s22] =	ssyncadd.s32 s6;
	_ =	sdelay $0x1  }
0xa3: {  	s23 =	simm.s32 $0x1B8B  }
0xa4: {  	_ =	swait.ge [sflag:s23], $0x1  }
0xa5: {  	[sflag:s23] =	ssyncset.done $0x0  }
0xa6: {  	s25 =	simm.s32 $0x1B8E;
	s24 =	sld [smem:$0x3FFE];
	[sflag:s23] =	ssyncadd.s32 $0xFFFFFFFF  }
0xa7: {  	s26 =	simm.s32 $execute0_lowered;
	[smem:$0x3FD2] =	sst s25  }
0xa8: {  	s7 =	sshll.u32 s26, $0x1;
	_ =	strace $0x80000046;
	[dreg:$0x1] =	wrdreg $0xFFFFFFFF  }
0xa9: {  	s28 =	simm.s32 $_size_execute0_lowered;
	s5 =	sadd.s32 s5, s7;
	[dreg:$0x0] =	wrdreg $0x0  }
0xaa: {  	s7 =	sshll.u32 s28, $0x1;
	[dreg:$0x2] =	wrdreg s5  }
0xab: {  	[dreg:$0x3] =	wrdreg s7  }
0xac: {  	[dreg:$0x4] =	wrdreg $0xC0  }
0xad: {  	_ =	task [dreg:s9], $0x5FFFF  }
0xae: {  	[dreg:$0x1] =	wrdreg $0xFFFFFFFF  }
0xaf: {  	[dreg:$0x0] =	wrdreg $0x60  }
0xb0: {  	[dreg:$0x2] =	wrdreg s24  }
0xb1: {  	[dreg:$0x3] =	wrdreg s2  }
0xb2: {  	[dreg:$0x4] =	wrdreg s18  }
0xb3: {  	[dreg:$0x5] =	wrdreg s4  }
0xb4: {  	[dreg:$0x6] =	wrdreg $0x9  }
0xb5: {  	_ =	task.clear_ibuf [dreg:s9], $0x7FFFF;
	_ =	strace $0x90000046  }
0xb6: {  	s29 =	simm.s32 $0x9;
	_ =	strace $0x80000048  }
0xb7: {  	_ =	swait.ge [sflag:s29], $0x1  }
0xb8: {  	[sflag:s29] =	ssyncadd.s32 $0xFFFFFFFF  }
0xb9: {  	_ =	strace $0x90000048  }
0xba: {  	_ =	sfence  }
0xbb: {  	s30 =	sld [smem:$0x0];
	_ =	sdelay $0x2  }
0xbc: {  	s31 =	sshll.u32 s1, $0xD;
	s1 =	sshrl.u32 s1, $0x2  }
0xbd: {  	s3 =	sand.u32 $0x4000, s31;
	s1 =	sadd.s32 s1, s30  }
0xbe: {  	s0 =	sor.u32 s3, s0;
	s1 =	sshll.u32 s1, $0x11  }
0xbf: {  	s0 =	sor.u32 s1, s0  }
0xc0: {  	s0 =	sadd.s32 $0x8F2B, s0  }
0xc1: {  	[sflag:s0] =	ssyncadd.remote.s32 $0x1  }
0xc2: {  	_ =	sfence.sel $0xFFFF  }
0xc3: {  	[dreg:$0x0] =	wrdreg $0xFFFFFFFF;
	(pc) =	sbr.abs _section_cstart, $3  }
0xc4: {  	[dreg:$0x1] =	wrdreg $0xFFFFFFFF  }
0xc5: {  	_ =	task.clear_ibuf [dreg:s9], $0x2FFFF;
	_ =	strace $0x9FFFFFFF  }
0xc6: {  	(tm) =	ssettm $0x7FFFFFFF  }
0xc7: {  	_ =	shalt  }
tec
execute0_lowered:
.L_overlay_start_1:
0x0: {  	(tag) =	ssettag $0x1  }
0x1: {  	s6 =	rddreg [dreg:$0x0]  }
0x2: {  	s1 =	rddreg [dreg:$0x1]  }
0x3: {  	s2 =	srdreg.scid;
	s3 =	rddreg [dreg:$0x2]  }
0x4: {  	s0 =	stileid.u32;
	s4 =	rddreg [dreg:$0x3]  }
0x5: {  	s5 =	simm.s32 $0x0;
	s11 =	simm.s32 $0x80;
	s12 =	simm.s32 $0x1C80  }
0x6: {  	s13 =	simm.s32 $0x5C80;
	s14 =	simm.s32 $0x5;
	s15 =	simm.s32 $0x6  }
0x7: {  	s16 =	simm.s32 $0x0;
	s7 =	sand.u32 $0x1, s2;
	s30 =	sshll.u32 s0, $0x1  }
.Ltmp0:
0x8: {  	s8 =	sor.u32 s7, s30;
	s7 =	ssub.s32 $0x2, s7;
	(pc) =	sbr.rel .LBB2_1-.Ltmp0, $4  }
0x9: {  	[smem:$0x7FF] =	sst s5;
	s9 =	smul.u32 $0x380, s8;
	s31 =	sshrl.u32 s7, $0x1  }
0xa: {  	s2 =	rddreg [dreg:$0x4];
	_ =	strace $0x80000047;
	s10 =	ssub.s32 s7, s31  }
0xb: {  	s9 =	sadd.s32 s9, s6;
	s6 =	smul.u32 $0x1900, s8;
	s8 =	smax.u32 s10, $0x1  }
0xc: {  	s10 =	simm.s32 $0x1C00;
	s7 =	sadd.s32 $0x400, s9;
	s9 =	simm.s32 $0x9  }
.LBB2_8:
0xd: {  	s16 =	sadd.s32 $0x1, s16  }
0xe: {  	_ =	swait.ge [sflag:s14], $0x4000;
	p0 =	sne.s32 s16, s8  }
.Ltmp1:
0xf: {  	[sflag:s14] =	ssyncset.done $0x0;
	(pc) =	sbr.rel @!p0 .LBB2_9-.Ltmp1, $4  }
0x10: {  	[sflag:s14] =	ssyncadd.s32 $0xFFFFC000  }
0x11: {  	_ =	swait.ge [sflag:s15], $0x4000  }
0x12: {  	[sflag:s15] =	ssyncset.done $0x0  }
0x13: {  	[sflag:s15] =	ssyncadd.s32 $0xFFFFC000  }
.LBB2_1:
0x14: {  	[tilespmem:s5], [sflag:$0x9] =	stream.linear.gather [hbm4b:s7+s5], $0x1900, $0x38;
	[tilespmem:$0x11C80] =	vst v63  }
0x15: {  	_ =	swait.ge [sflag:s9], $0x1900  }
0x16: {  	[sflag:s9] =	ssyncset.done $0x0  }
0x17: {  	[sflag:s9] =	ssyncadd.s32 $0xFFFFE700  }
0x18: {  	[tilespmem:s10], [sflag:$0x9] =	stream.linear.gather [hbm4b:s3+s5], $0x80, $0x38;
	[tilespmem:$0x11C80] =	vst v63  }
0x19: {  	_ =	swait.ge [sflag:s9], $0x80  }
.Ltmp2:
0x1a: {  	[sflag:s9] =	ssyncset.done $0x0;
	(pc) =	sbr.rel .LBB2_2-.Ltmp2, $4  }
0x1b: {  	[sflag:s9] =	ssyncadd.s32 $0xFFFFFF80  }
0x1c: {  	[tilespmem:s12], [sflag:$0x1] =	stream.indirect.gather [hbm4b:s1+s11], $0x80, s5, s11, $0xb8;
	[tilespmem:$0x11C80] =	vst v63  }
0x1d: {  	s17 =	simm.s32 $0x0;
	s18 =	simm.s32 $0x0;
	s19 =	simm.s32 $0x0  }
0x1e: {  	[tilespmem:s13], [sflag:$0x2] =	stream.indirect.gather [hbm4b:s1+s11], $0x80, s11, s11, $0xb8;
	[tilespmem:$0x11C80] =	vst v63  }
.LBB2_7:
0x1f: {  	s22 =	sshll.u32 s20, $0x10  }
0x20: {  	s21 =	sadd.s32 s6, s21;
	s23 =	sadd.s32 $0x5, s20;
	p0 =	slt.u32 s19, $0x2  }
0x21: {  	s22 =	sshrl.u32 s22, $0x2;
	s21 =	sshll.u32 s21, $0x4;
	s20 =	sxor.u32 @!p0 $0x2, s20  }
0x22: {  	s22 =	sadd.s32 $0x1C80, s22;
	s21 =	sadd.s32 s4, s21;
	s20 =	sadd.s32 @!p0 $0x5, s20  }
0x23: {  	[hbm4b:s21+s5] =	stream.linear.scatter [tilespmem:s22], [sflag:s23], $0x4000, $0x38;
	[tilespmem:$0x11C80] =	vst v63  }
0x24: {  	p1 =	sgt.u32 @!p0 s19, $0x2F;
	_ =	swait.ge @!p0 [sflag:s20], $0x4000  }
0x25: {  	p1 =	por p0, !p1;
	[sflag:s20] =	ssyncset.done @!p0 $0x0  }
0x26: {  	[sflag:s20] =	ssyncadd.s32 @!p0 $0xFFFFC000;
	s20 =	sadd.s32 @p1 $0x2, s19;
	s19 =	sadd.s32 $0x1, s19  }
0x27: {  	p0 =	sne.s32 s19, $0x32  }
.Ltmp3:
0x28: {  	_ = 	snop;
	(pc) =	sbr.rel @!p0 .LBB2_8-.Ltmp3, $4  }
0x29: {  	s18 =	sadd.s32 $0x80, s18;
	s21 =	sand.u32 @p1 $0x3, s20  }
0x2a: {  	s17 =	sadd.s32 $0x1, s17;
	s20 =	sshll.u32 @p1 s20, $0x7;
	s22 =	sshll.u32 @p1 s21, $0xE  }
0x2b: {  	s20 =	sand.u32 @p1 $0x3FFFFF80, s20;
	s21 =	sadd.s32 @p1 $0x1, s21;
	s22 =	sor.u32 @p1 $0x1C80, s22  }
0x2c: {  	[tilespmem:s22], [sflag:s21] =	stream.indirect.gather @p1 [hbm4b:s1+s11], $0x80, s20, s11, $0xb8;
	[tilespmem:$0x11C80] =	vst v63  }
.LBB2_2:
0x2d: {  	s20 =	sand.u32 $0x3, s19  }
0x2e: {  	s21 =	sadd.s32 $0x1, s20  }
0x2f: {  	_ =	swait.ge [sflag:s21], $0x4000  }
0x30: {  	[sflag:s21] =	ssyncset.done $0x0  }
0x31: {  	[sflag:s21] =	ssyncadd.s32 $0xFFFFC000;
	s21 =	sshll.u32 s19, $0x7  }
0x32: {  	v0 =	vld [tilespmem:s21+$0x0]  }
0x33: {  	v1 =	vld [tilespmem:s21+$0x10]  }
0x34: {  	v2 =	vld [tilespmem:s21+$0x20]  }
0x35: {  	v3 =	vld [tilespmem:s21+$0x30]  }
0x36: {  	v4 =	vld [tilespmem:s21+$0x40]  }
0x37: {  	v5 =	vld [tilespmem:s21+$0x50]  }
0x38: {  	v61 =	vld [tilespmem:s21+$0x60];
	vm0 =	veq.s32 v0, $0x1869F;
	vm1 =	veq.s32 v1, $0x1869F  }
0x39: {  	v62 =	vld [tilespmem:s21+$0x70];
	vm10 =	veq.s32 v2, $0x1869F;
	vm0 =	vmor vm0, vm1  }
0x3a: {  	vm11 =	veq.s32 v3, $0x1869F;
	vm0 =	vmor vm0, vm10  }
0x3b: {  	vm12 =	veq.s32 v4, $0x1869F;
	vm0 =	vmor vm0, vm11  }
0x3c: {  	vm13 =	veq.s32 v5, $0x1869F;
	vm0 =	vmor vm0, vm12  }
0x3d: {  	vm14 =	veq.s32 v61, $0x1869F;
	vm0 =	vmor vm0, vm13  }
0x3e: {  	vm15 =	veq.s32 v62, $0x1869F;
	vm0 =	vmor vm0, vm14  }
0x3f: {  	vm0 =	vmor vm0, vm15  }
0x40: {  	v63 =	vmpcnt.ones.xlane vm0;
	_ =	sdelay $0x1  }
0x41: {  	(v2sf) =	vpush v63, $0x0;
	_ =	sdelay $0xe  }
0x42: {  	s22 =	spop (v2sf)  }
0x43: {  	p0 =	slt.s32 s22, $0x1  }
.Ltmp4:
0x44: {  	_ = 	snop;
	(pc) =	sbr.rel @p0 .LBB2_7-.Ltmp4, $1  }
0x45: {  	_ =	sdelay $0x3  }
.Ltmp5:
0x46: {  	(pc) =	sbr.rel .LBB2_4-.Ltmp5, $4  }
0x47: {  	_ = 	snop  }
0x48: {  	s22 =	sand.u32 $0x3, s17  }
0x49: {  	s22 =	sshll.u32 s22, $0xE  }
0x4a: {  	s23 =	simm.s32 $0x0;
	v0 =	vmov s18;
	s22 =	sor.u32 $0x2080, s22  }
.LBB2_6:
0x4b: {  	s23 =	sadd.s32 $0x40, s23  }
0x4c: {  	p0 =	sne.s32 s23, $0x200  }
.Ltmp6:
0x4d: {  	_ = 	snop;
	(pc) =	sbr.rel @!p0 .LBB2_7-.Ltmp6, $2  }
0x4e: {  	_ =	sdelay $0x2  }
0x4f: {  	s22 =	sadd.s32 $0x800, s22  }
.LBB2_4:
0x50: {  	_ =	sdelay $0x2  }
0x51: {  	s24 =	sshra.s32 s23, $0x2  }
0x52: {  	v1 =	vld.idx.msk [tilespmem:v0+s24+$0x0 ss:$0x1], $0xffff;
	_ =	sdelay $0x4  }
0x53: {  	vm0 =	veq.s32 v1, $0x1869F  }
0x54: {  	v2 =	vmpcnt.ones.xlane vm0;
	_ =	sdelay $0x1  }
0x55: {  	(v2sf) =	vpush v2, $0x0;
	_ =	sdelay $0xe  }
0x56: {  	s31 =	spop (v2sf)  }
0x57: {  	p0 =	slt.s32 s31, $0x1  }
.Ltmp7:
0x58: {  	_ = 	snop;
	(pc) =	sbr.rel @p0 .LBB2_6-.Ltmp7, $1  }
0x59: {  	_ =	sdelay $0x3  }
0x5a: {  	(v2sf) =	vpush v1, $0x0;
	_ =	sdelay $0xe  }
0x5b: {  	s24 =	spop (v2sf)  }
0x5c: {  	p0 =	sne.s32 s24, $0x1869F  }
0x5d: {  	v2 =	vld @!p0 [tilespmem:$0x1C00];
	_ =	sdelay $0x4  }
0x5e: {  	[tilespmem:s22+$0xFFFFFC00] =	vst @!p0 v2  }
0x5f: {  	v2 =	vld @!p0 [tilespmem:$0x1C10];
	_ =	sdelay $0x4  }
0x60: {  	[tilespmem:s22+$0xFFFFFC10] =	vst @!p0 v2  }
0x61: {  	v2 =	vld @!p0 [tilespmem:$0x1C20];
	_ =	sdelay $0x4  }
0x62: {  	[tilespmem:s22+$0xFFFFFC20] =	vst @!p0 v2  }
0x63: {  	v2 =	vld @!p0 [tilespmem:$0x1C30];
	_ =	sdelay $0x4  }
0x64: {  	[tilespmem:s22+$0xFFFFFC30] =	vst @!p0 v2  }
0x65: {  	v2 =	vld @!p0 [tilespmem:$0x1C40];
	_ =	sdelay $0x4  }
0x66: {  	[tilespmem:s22+$0xFFFFFC40] =	vst @!p0 v2  }
0x67: {  	v2 =	vld @!p0 [tilespmem:$0x1C50]  }
0x68: {  	(v2sf) =	vpush v1, $0x1;
	_ =	sdelay $0x3  }
0x69: {  	[tilespmem:s22+$0xFFFFFC50] =	vst @!p0 v2  }
0x6a: {  	v2 =	vld @!p0 [tilespmem:$0x1C60];
	_ =	sdelay $0x4  }
0x6b: {  	[tilespmem:s22+$0xFFFFFC60] =	vst @!p0 v2  }
0x6c: {  	v2 =	vld @!p0 [tilespmem:$0x1C70];
	_ =	sdelay $0x3  }
0x6d: {  	s29 =	spop (v2sf)  }
0x6e: {  	[tilespmem:s22+$0xFFFFFC70] =	vst @!p0 v2;
	p0 =	sne.s32 s29, $0x1869F  }
0x6f: {  	v2 =	vld @!p0 [tilespmem:$0x1C00];
	_ =	sdelay $0x4  }
0x70: {  	[tilespmem:s22+$0xFFFFFC80] =	vst @!p0 v2  }
0x71: {  	v2 =	vld @!p0 [tilespmem:$0x1C10];
	_ =	sdelay $0x4  }
0x72: {  	[tilespmem:s22+$0xFFFFFC90] =	vst @!p0 v2  }
0x73: {  	v2 =	vld @!p0 [tilespmem:$0x1C20];
	_ =	sdelay $0x4  }
0x74: {  	[tilespmem:s22+$0xFFFFFCA0] =	vst @!p0 v2  }
0x75: {  	v2 =	vld @!p0 [tilespmem:$0x1C30];
	_ =	sdelay $0x4  }
0x76: {  	[tilespmem:s22+$0xFFFFFCB0] =	vst @!p0 v2  }
0x77: {  	v2 =	vld @!p0 [tilespmem:$0x1C40];
	_ =	sdelay $0x4  }
0x78: {  	[tilespmem:s22+$0xFFFFFCC0] =	vst @!p0 v2  }
0x79: {  	v2 =	vld @!p0 [tilespmem:$0x1C50]  }
0x7a: {  	(v2sf) =	vpush v1, $0x2;
	_ =	sdelay $0x3  }
0x7b: {  	[tilespmem:s22+$0xFFFFFCD0] =	vst @!p0 v2  }
0x7c: {  	v2 =	vld @!p0 [tilespmem:$0x1C60];
	_ =	sdelay $0x4  }
0x7d: {  	[tilespmem:s22+$0xFFFFFCE0] =	vst @!p0 v2  }
0x7e: {  	v2 =	vld @!p0 [tilespmem:$0x1C70];
	_ =	sdelay $0x3  }
0x7f: {  	s30 =	spop (v2sf)  }
0x80: {  	[tilespmem:s22+$0xFFFFFCF0] =	vst @!p0 v2;
	p0 =	sne.s32 s30, $0x1869F  }
0x81: {  	v2 =	vld @!p0 [tilespmem:$0x1C00];
	_ =	sdelay $0x4  }
0x82: {  	[tilespmem:s22+$0xFFFFFD00] =	vst @!p0 v2  }
0x83: {  	v2 =	vld @!p0 [tilespmem:$0x1C10];
	_ =	sdelay $0x4  }
0x84: {  	[tilespmem:s22+$0xFFFFFD10] =	vst @!p0 v2  }
0x85: {  	v2 =	vld @!p0 [tilespmem:$0x1C20];
	_ =	sdelay $0x4  }
0x86: {  	[tilespmem:s22+$0xFFFFFD20] =	vst @!p0 v2  }
0x87: {  	v2 =	vld @!p0 [tilespmem:$0x1C30];
	_ =	sdelay $0x4  }
0x88: {  	[tilespmem:s22+$0xFFFFFD30] =	vst @!p0 v2  }
0x89: {  	v2 =	vld @!p0 [tilespmem:$0x1C40];
	_ =	sdelay $0x4  }
0x8a: {  	[tilespmem:s22+$0xFFFFFD40] =	vst @!p0 v2  }
0x8b: {  	v2 =	vld @!p0 [tilespmem:$0x1C50]  }
0x8c: {  	(v2sf) =	vpush v1, $0x3;
	_ =	sdelay $0x3  }
0x8d: {  	[tilespmem:s22+$0xFFFFFD50] =	vst @!p0 v2  }
0x8e: {  	v2 =	vld @!p0 [tilespmem:$0x1C60];
	_ =	sdelay $0x4  }
0x8f: {  	[tilespmem:s22+$0xFFFFFD60] =	vst @!p0 v2  }
0x90: {  	v2 =	vld @!p0 [tilespmem:$0x1C70];
	_ =	sdelay $0x3  }
0x91: {  	s31 =	spop (v2sf)  }
0x92: {  	[tilespmem:s22+$0xFFFFFD70] =	vst @!p0 v2;
	p0 =	sne.s32 s31, $0x1869F  }
0x93: {  	v2 =	vld @!p0 [tilespmem:$0x1C00];
	_ =	sdelay $0x4  }
0x94: {  	[tilespmem:s22+$0xFFFFFD80] =	vst @!p0 v2  }
0x95: {  	v2 =	vld @!p0 [tilespmem:$0x1C10];
	_ =	sdelay $0x4  }
0x96: {  	[tilespmem:s22+$0xFFFFFD90] =	vst @!p0 v2  }
0x97: {  	v2 =	vld @!p0 [tilespmem:$0x1C20];
	_ =	sdelay $0x4  }
0x98: {  	[tilespmem:s22+$0xFFFFFDA0] =	vst @!p0 v2  }
0x99: {  	v2 =	vld @!p0 [tilespmem:$0x1C30];
	_ =	sdelay $0x4  }
0x9a: {  	[tilespmem:s22+$0xFFFFFDB0] =	vst @!p0 v2  }
0x9b: {  	v2 =	vld @!p0 [tilespmem:$0x1C40];
	_ =	sdelay $0x4  }
0x9c: {  	[tilespmem:s22+$0xFFFFFDC0] =	vst @!p0 v2  }
0x9d: {  	v2 =	vld @!p0 [tilespmem:$0x1C50]  }
0x9e: {  	(v2sf) =	vpush v1, $0x4;
	_ =	sdelay $0x3  }
0x9f: {  	[tilespmem:s22+$0xFFFFFDD0] =	vst @!p0 v2  }
0xa0: {  	v2 =	vld @!p0 [tilespmem:$0x1C60];
	_ =	sdelay $0x4  }
0xa1: {  	[tilespmem:s22+$0xFFFFFDE0] =	vst @!p0 v2  }
0xa2: {  	v2 =	vld @!p0 [tilespmem:$0x1C70];
	_ =	sdelay $0x3  }
0xa3: {  	s25 =	spop (v2sf)  }
0xa4: {  	[tilespmem:s22+$0xFFFFFDF0] =	vst @!p0 v2;
	p0 =	sne.s32 s25, $0x1869F  }
0xa5: {  	v2 =	vld @!p0 [tilespmem:$0x1C00];
	_ =	sdelay $0x4  }
0xa6: {  	[tilespmem:s22+$0xFFFFFE00] =	vst @!p0 v2  }
0xa7: {  	v2 =	vld @!p0 [tilespmem:$0x1C10];
	_ =	sdelay $0x4  }
0xa8: {  	[tilespmem:s22+$0xFFFFFE10] =	vst @!p0 v2  }
0xa9: {  	v2 =	vld @!p0 [tilespmem:$0x1C20];
	_ =	sdelay $0x4  }
0xaa: {  	[tilespmem:s22+$0xFFFFFE20] =	vst @!p0 v2  }
0xab: {  	v2 =	vld @!p0 [tilespmem:$0x1C30];
	_ =	sdelay $0x4  }
0xac: {  	[tilespmem:s22+$0xFFFFFE30] =	vst @!p0 v2  }
0xad: {  	v2 =	vld @!p0 [tilespmem:$0x1C40];
	_ =	sdelay $0x4  }
0xae: {  	[tilespmem:s22+$0xFFFFFE40] =	vst @!p0 v2  }
0xaf: {  	v2 =	vld @!p0 [tilespmem:$0x1C50]  }
0xb0: {  	(v2sf) =	vpush v1, $0x5;
	_ =	sdelay $0x3  }
0xb1: {  	[tilespmem:s22+$0xFFFFFE50] =	vst @!p0 v2  }
0xb2: {  	v2 =	vld @!p0 [tilespmem:$0x1C60];
	_ =	sdelay $0x4  }
0xb3: {  	[tilespmem:s22+$0xFFFFFE60] =	vst @!p0 v2  }
0xb4: {  	v2 =	vld @!p0 [tilespmem:$0x1C70];
	_ =	sdelay $0x3  }
0xb5: {  	s26 =	spop (v2sf)  }
0xb6: {  	[tilespmem:s22+$0xFFFFFE70] =	vst @!p0 v2;
	p0 =	sne.s32 s26, $0x1869F  }
0xb7: {  	v2 =	vld @!p0 [tilespmem:$0x1C00];
	_ =	sdelay $0x4  }
0xb8: {  	[tilespmem:s22+$0xFFFFFE80] =	vst @!p0 v2  }
0xb9: {  	v2 =	vld @!p0 [tilespmem:$0x1C10];
	_ =	sdelay $0x4  }
0xba: {  	[tilespmem:s22+$0xFFFFFE90] =	vst @!p0 v2  }
0xbb: {  	v2 =	vld @!p0 [tilespmem:$0x1C20];
	_ =	sdelay $0x4  }
0xbc: {  	[tilespmem:s22+$0xFFFFFEA0] =	vst @!p0 v2  }
0xbd: {  	v2 =	vld @!p0 [tilespmem:$0x1C30];
	_ =	sdelay $0x4  }
0xbe: {  	[tilespmem:s22+$0xFFFFFEB0] =	vst @!p0 v2  }
0xbf: {  	v2 =	vld @!p0 [tilespmem:$0x1C40];
	_ =	sdelay $0x4  }
0xc0: {  	[tilespmem:s22+$0xFFFFFEC0] =	vst @!p0 v2  }
0xc1: {  	v2 =	vld @!p0 [tilespmem:$0x1C50]  }
0xc2: {  	(v2sf) =	vpush v1, $0x6;
	_ =	sdelay $0x3  }
0xc3: {  	[tilespmem:s22+$0xFFFFFED0] =	vst @!p0 v2  }
0xc4: {  	v2 =	vld @!p0 [tilespmem:$0x1C60];
	_ =	sdelay $0x4  }
0xc5: {  	[tilespmem:s22+$0xFFFFFEE0] =	vst @!p0 v2  }
0xc6: {  	v2 =	vld @!p0 [tilespmem:$0x1C70];
	_ =	sdelay $0x3  }
0xc7: {  	s28 =	spop (v2sf)  }
0xc8: {  	[tilespmem:s22+$0xFFFFFEF0] =	vst @!p0 v2;
	p0 =	sne.s32 s28, $0x1869F  }
0xc9: {  	v2 =	vld @!p0 [tilespmem:$0x1C00];
	_ =	sdelay $0x4  }
0xca: {  	[tilespmem:s22+$0xFFFFFF00] =	vst @!p0 v2  }
0xcb: {  	v2 =	vld @!p0 [tilespmem:$0x1C10];
	_ =	sdelay $0x4  }
0xcc: {  	[tilespmem:s22+$0xFFFFFF10] =	vst @!p0 v2  }
0xcd: {  	v2 =	vld @!p0 [tilespmem:$0x1C20];
	_ =	sdelay $0x4  }
0xce: {  	[tilespmem:s22+$0xFFFFFF20] =	vst @!p0 v2  }
0xcf: {  	v2 =	vld @!p0 [tilespmem:$0x1C30];
	_ =	sdelay $0x4  }
0xd0: {  	[tilespmem:s22+$0xFFFFFF30] =	vst @!p0 v2  }
0xd1: {  	v2 =	vld @!p0 [tilespmem:$0x1C40];
	_ =	sdelay $0x4  }
0xd2: {  	[tilespmem:s22+$0xFFFFFF40] =	vst @!p0 v2  }
0xd3: {  	v2 =	vld @!p0 [tilespmem:$0x1C50]  }
0xd4: {  	(v2sf) =	vpush v1, $0x7;
	_ =	sdelay $0x3  }
0xd5: {  	[tilespmem:s22+$0xFFFFFF50] =	vst @!p0 v2  }
0xd6: {  	v2 =	vld @!p0 [tilespmem:$0x1C60];
	_ =	sdelay $0x4  }
0xd7: {  	[tilespmem:s22+$0xFFFFFF60] =	vst @!p0 v2  }
0xd8: {  	v2 =	vld @!p0 [tilespmem:$0x1C70];
	_ =	sdelay $0x3  }
0xd9: {  	s29 =	spop (v2sf)  }
0xda: {  	[tilespmem:s22+$0xFFFFFF70] =	vst @!p0 v2;
	p0 =	sne.s32 s29, $0x1869F  }
0xdb: {  	v2 =	vld @!p0 [tilespmem:$0x1C00];
	_ =	sdelay $0x4  }
0xdc: {  	[tilespmem:s22+$0xFFFFFF80] =	vst @!p0 v2  }
0xdd: {  	v2 =	vld @!p0 [tilespmem:$0x1C10];
	_ =	sdelay $0x4  }
0xde: {  	[tilespmem:s22+$0xFFFFFF90] =	vst @!p0 v2  }
0xdf: {  	v2 =	vld @!p0 [tilespmem:$0x1C20];
	_ =	sdelay $0x4  }
0xe0: {  	[tilespmem:s22+$0xFFFFFFA0] =	vst @!p0 v2  }
0xe1: {  	v2 =	vld @!p0 [tilespmem:$0x1C30];
	_ =	sdelay $0x4  }
0xe2: {  	[tilespmem:s22+$0xFFFFFFB0] =	vst @!p0 v2  }
0xe3: {  	v2 =	vld @!p0 [tilespmem:$0x1C40];
	_ =	sdelay $0x4  }
0xe4: {  	[tilespmem:s22+$0xFFFFFFC0] =	vst @!p0 v2  }
0xe5: {  	v2 =	vld @!p0 [tilespmem:$0x1C50]  }
0xe6: {  	(v2sf) =	vpush v1, $0x8;
	_ =	sdelay $0x3  }
0xe7: {  	[tilespmem:s22+$0xFFFFFFD0] =	vst @!p0 v2  }
0xe8: {  	v2 =	vld @!p0 [tilespmem:$0x1C60];
	_ =	sdelay $0x4  }
0xe9: {  	[tilespmem:s22+$0xFFFFFFE0] =	vst @!p0 v2  }
0xea: {  	v2 =	vld @!p0 [tilespmem:$0x1C70];
	_ =	sdelay $0x3  }
0xeb: {  	s30 =	spop (v2sf)  }
0xec: {  	[tilespmem:s22+$0xFFFFFFF0] =	vst @!p0 v2;
	p0 =	sne.s32 s30, $0x1869F  }
0xed: {  	v2 =	vld @!p0 [tilespmem:$0x1C00];
	_ =	sdelay $0x4  }
0xee: {  	[tilespmem:s22+$0x0] =	vst @!p0 v2  }
0xef: {  	v2 =	vld @!p0 [tilespmem:$0x1C10];
	_ =	sdelay $0x4  }
0xf0: {  	[tilespmem:s22+$0x10] =	vst @!p0 v2  }
0xf1: {  	v2 =	vld @!p0 [tilespmem:$0x1C20];
	_ =	sdelay $0x4  }
0xf2: {  	[tilespmem:s22+$0x20] =	vst @!p0 v2  }
0xf3: {  	v2 =	vld @!p0 [tilespmem:$0x1C30];
	_ =	sdelay $0x4  }
0xf4: {  	[tilespmem:s22+$0x30] =	vst @!p0 v2  }
0xf5: {  	v2 =	vld @!p0 [tilespmem:$0x1C40];
	_ =	sdelay $0x4  }
0xf6: {  	[tilespmem:s22+$0x40] =	vst @!p0 v2  }
0xf7: {  	v2 =	vld @!p0 [tilespmem:$0x1C50]  }
0xf8: {  	(v2sf) =	vpush v1, $0x9;
	_ =	sdelay $0x3  }
0xf9: {  	[tilespmem:s22+$0x50] =	vst @!p0 v2  }
0xfa: {  	v2 =	vld @!p0 [tilespmem:$0x1C60];
	_ =	sdelay $0x4  }
0xfb: {  	[tilespmem:s22+$0x60] =	vst @!p0 v2  }
0xfc: {  	v2 =	vld @!p0 [tilespmem:$0x1C70];
	_ =	sdelay $0x3  }
0xfd: {  	s31 =	spop (v2sf)  }
0xfe: {  	[tilespmem:s22+$0x70] =	vst @!p0 v2;
	p0 =	sne.s32 s31, $0x1869F  }
0xff: {  	v2 =	vld @!p0 [tilespmem:$0x1C00];
	_ =	sdelay $0x4  }
0x100: {  	[tilespmem:s22+$0x80] =	vst @!p0 v2  }
0x101: {  	v2 =	vld @!p0 [tilespmem:$0x1C10];
	_ =	sdelay $0x4  }
0x102: {  	[tilespmem:s22+$0x90] =	vst @!p0 v2  }
0x103: {  	v2 =	vld @!p0 [tilespmem:$0x1C20];
	_ =	sdelay $0x4  }
0x104: {  	[tilespmem:s22+$0xA0] =	vst @!p0 v2  }
0x105: {  	v2 =	vld @!p0 [tilespmem:$0x1C30];
	_ =	sdelay $0x4  }
0x106: {  	[tilespmem:s22+$0xB0] =	vst @!p0 v2  }
0x107: {  	v2 =	vld @!p0 [tilespmem:$0x1C40];
	_ =	sdelay $0x4  }
0x108: {  	[tilespmem:s22+$0xC0] =	vst @!p0 v2  }
0x109: {  	v2 =	vld @!p0 [tilespmem:$0x1C50]  }
0x10a: {  	(v2sf) =	vpush v1, $0xA;
	_ =	sdelay $0x3  }
0x10b: {  	[tilespmem:s22+$0xD0] =	vst @!p0 v2  }
0x10c: {  	v2 =	vld @!p0 [tilespmem:$0x1C60];
	_ =	sdelay $0x4  }
0x10d: {  	[tilespmem:s22+$0xE0] =	vst @!p0 v2  }
0x10e: {  	v2 =	vld @!p0 [tilespmem:$0x1C70];
	_ =	sdelay $0x3  }
0x10f: {  	s25 =	spop (v2sf)  }
0x110: {  	[tilespmem:s22+$0xF0] =	vst @!p0 v2;
	p0 =	sne.s32 s25, $0x1869F  }
0x111: {  	v2 =	vld @!p0 [tilespmem:$0x1C00];
	_ =	sdelay $0x4  }
0x112: {  	[tilespmem:s22+$0x100] =	vst @!p0 v2  }
0x113: {  	v2 =	vld @!p0 [tilespmem:$0x1C10];
	_ =	sdelay $0x4  }
0x114: {  	[tilespmem:s22+$0x110] =	vst @!p0 v2  }
0x115: {  	v2 =	vld @!p0 [tilespmem:$0x1C20];
	_ =	sdelay $0x4  }
0x116: {  	[tilespmem:s22+$0x120] =	vst @!p0 v2  }
0x117: {  	v2 =	vld @!p0 [tilespmem:$0x1C30];
	_ =	sdelay $0x4  }
0x118: {  	[tilespmem:s22+$0x130] =	vst @!p0 v2  }
0x119: {  	v2 =	vld @!p0 [tilespmem:$0x1C40];
	_ =	sdelay $0x4  }
0x11a: {  	[tilespmem:s22+$0x140] =	vst @!p0 v2  }
0x11b: {  	v2 =	vld @!p0 [tilespmem:$0x1C50]  }
0x11c: {  	(v2sf) =	vpush v1, $0xB;
	_ =	sdelay $0x3  }
0x11d: {  	[tilespmem:s22+$0x150] =	vst @!p0 v2  }
0x11e: {  	v2 =	vld @!p0 [tilespmem:$0x1C60];
	_ =	sdelay $0x4  }
0x11f: {  	[tilespmem:s22+$0x160] =	vst @!p0 v2  }
0x120: {  	v2 =	vld @!p0 [tilespmem:$0x1C70];
	_ =	sdelay $0x3  }
0x121: {  	s26 =	spop (v2sf)  }
0x122: {  	[tilespmem:s22+$0x170] =	vst @!p0 v2;
	p0 =	sne.s32 s26, $0x1869F  }
0x123: {  	v2 =	vld @!p0 [tilespmem:$0x1C00];
	_ =	sdelay $0x4  }
0x124: {  	[tilespmem:s22+$0x180] =	vst @!p0 v2  }
0x125: {  	v2 =	vld @!p0 [tilespmem:$0x1C10];
	_ =	sdelay $0x4  }
0x126: {  	[tilespmem:s22+$0x190] =	vst @!p0 v2  }
0x127: {  	v2 =	vld @!p0 [tilespmem:$0x1C20];
	_ =	sdelay $0x4  }
0x128: {  	[tilespmem:s22+$0x1A0] =	vst @!p0 v2  }
0x129: {  	v2 =	vld @!p0 [tilespmem:$0x1C30];
	_ =	sdelay $0x4  }
0x12a: {  	[tilespmem:s22+$0x1B0] =	vst @!p0 v2  }
0x12b: {  	v2 =	vld @!p0 [tilespmem:$0x1C40];
	_ =	sdelay $0x4  }
0x12c: {  	[tilespmem:s22+$0x1C0] =	vst @!p0 v2  }
0x12d: {  	v2 =	vld @!p0 [tilespmem:$0x1C50]  }
0x12e: {  	(v2sf) =	vpush v1, $0xC;
	_ =	sdelay $0x3  }
0x12f: {  	[tilespmem:s22+$0x1D0] =	vst @!p0 v2  }
0x130: {  	v2 =	vld @!p0 [tilespmem:$0x1C60];
	_ =	sdelay $0x4  }
0x131: {  	[tilespmem:s22+$0x1E0] =	vst @!p0 v2  }
0x132: {  	v2 =	vld @!p0 [tilespmem:$0x1C70];
	_ =	sdelay $0x3  }
0x133: {  	s28 =	spop (v2sf)  }
0x134: {  	[tilespmem:s22+$0x1F0] =	vst @!p0 v2;
	p0 =	sne.s32 s28, $0x1869F  }
0x135: {  	v2 =	vld @!p0 [tilespmem:$0x1C00];
	_ =	sdelay $0x4  }
0x136: {  	[tilespmem:s22+$0x200] =	vst @!p0 v2  }
0x137: {  	v2 =	vld @!p0 [tilespmem:$0x1C10];
	_ =	sdelay $0x4  }
0x138: {  	[tilespmem:s22+$0x210] =	vst @!p0 v2  }
0x139: {  	v2 =	vld @!p0 [tilespmem:$0x1C20];
	_ =	sdelay $0x4  }
0x13a: {  	[tilespmem:s22+$0x220] =	vst @!p0 v2  }
0x13b: {  	v2 =	vld @!p0 [tilespmem:$0x1C30];
	_ =	sdelay $0x4  }
0x13c: {  	[tilespmem:s22+$0x230] =	vst @!p0 v2  }
0x13d: {  	v2 =	vld @!p0 [tilespmem:$0x1C40];
	_ =	sdelay $0x4  }
0x13e: {  	[tilespmem:s22+$0x240] =	vst @!p0 v2  }
0x13f: {  	v2 =	vld @!p0 [tilespmem:$0x1C50]  }
0x140: {  	(v2sf) =	vpush v1, $0xD;
	_ =	sdelay $0x3  }
0x141: {  	[tilespmem:s22+$0x250] =	vst @!p0 v2  }
0x142: {  	v2 =	vld @!p0 [tilespmem:$0x1C60];
	_ =	sdelay $0x4  }
0x143: {  	[tilespmem:s22+$0x260] =	vst @!p0 v2  }
0x144: {  	v2 =	vld @!p0 [tilespmem:$0x1C70];
	_ =	sdelay $0x3  }
0x145: {  	s29 =	spop (v2sf)  }
0x146: {  	[tilespmem:s22+$0x270] =	vst @!p0 v2;
	p0 =	sne.s32 s29, $0x1869F  }
0x147: {  	v2 =	vld @!p0 [tilespmem:$0x1C00];
	_ =	sdelay $0x4  }
0x148: {  	[tilespmem:s22+$0x280] =	vst @!p0 v2  }
0x149: {  	v2 =	vld @!p0 [tilespmem:$0x1C10];
	_ =	sdelay $0x4  }
0x14a: {  	[tilespmem:s22+$0x290] =	vst @!p0 v2  }
0x14b: {  	v2 =	vld @!p0 [tilespmem:$0x1C20];
	_ =	sdelay $0x4  }
0x14c: {  	[tilespmem:s22+$0x2A0] =	vst @!p0 v2  }
0x14d: {  	v2 =	vld @!p0 [tilespmem:$0x1C30];
	_ =	sdelay $0x4  }
0x14e: {  	[tilespmem:s22+$0x2B0] =	vst @!p0 v2  }
0x14f: {  	v2 =	vld @!p0 [tilespmem:$0x1C40];
	_ =	sdelay $0x4  }
0x150: {  	[tilespmem:s22+$0x2C0] =	vst @!p0 v2  }
0x151: {  	v2 =	vld @!p0 [tilespmem:$0x1C50]  }
0x152: {  	(v2sf) =	vpush v1, $0xE;
	_ =	sdelay $0x3  }
0x153: {  	[tilespmem:s22+$0x2D0] =	vst @!p0 v2  }
0x154: {  	v2 =	vld @!p0 [tilespmem:$0x1C60];
	_ =	sdelay $0x4  }
0x155: {  	[tilespmem:s22+$0x2E0] =	vst @!p0 v2  }
0x156: {  	v2 =	vld @!p0 [tilespmem:$0x1C70];
	_ =	sdelay $0x3  }
0x157: {  	s30 =	spop (v2sf)  }
0x158: {  	[tilespmem:s22+$0x2F0] =	vst @!p0 v2;
	p0 =	sne.s32 s30, $0x1869F  }
0x159: {  	v2 =	vld @!p0 [tilespmem:$0x1C00];
	_ =	sdelay $0x4  }
0x15a: {  	[tilespmem:s22+$0x300] =	vst @!p0 v2  }
0x15b: {  	v2 =	vld @!p0 [tilespmem:$0x1C10];
	_ =	sdelay $0x4  }
0x15c: {  	[tilespmem:s22+$0x310] =	vst @!p0 v2  }
0x15d: {  	v2 =	vld @!p0 [tilespmem:$0x1C20];
	_ =	sdelay $0x4  }
0x15e: {  	[tilespmem:s22+$0x320] =	vst @!p0 v2  }
0x15f: {  	v2 =	vld @!p0 [tilespmem:$0x1C30];
	_ =	sdelay $0x4  }
0x160: {  	[tilespmem:s22+$0x330] =	vst @!p0 v2  }
0x161: {  	v2 =	vld @!p0 [tilespmem:$0x1C40];
	_ =	sdelay $0x4  }
0x162: {  	[tilespmem:s22+$0x340] =	vst @!p0 v2  }
0x163: {  	v2 =	vld @!p0 [tilespmem:$0x1C50]  }
0x164: {  	(v2sf) =	vpush v1, $0xF;
	_ =	sdelay $0x3  }
0x165: {  	[tilespmem:s22+$0x350] =	vst @!p0 v2  }
0x166: {  	v1 =	vld @!p0 [tilespmem:$0x1C60];
	_ =	sdelay $0x4  }
0x167: {  	[tilespmem:s22+$0x360] =	vst @!p0 v1  }
0x168: {  	v1 =	vld @!p0 [tilespmem:$0x1C70];
	_ =	sdelay $0x3  }
0x169: {  	s31 =	spop (v2sf)  }
0x16a: {  	[tilespmem:s22+$0x370] =	vst @!p0 v1;
	p0 =	sne.s32 s31, $0x1869F  }
0x16b: {  	v1 =	vld @!p0 [tilespmem:$0x1C00];
	_ =	sdelay $0x4  }
0x16c: {  	[tilespmem:s22+$0x380] =	vst @!p0 v1  }
0x16d: {  	v1 =	vld @!p0 [tilespmem:$0x1C10];
	_ =	sdelay $0x4  }
0x16e: {  	[tilespmem:s22+$0x390] =	vst @!p0 v1  }
0x16f: {  	v1 =	vld @!p0 [tilespmem:$0x1C20];
	_ =	sdelay $0x4  }
0x170: {  	[tilespmem:s22+$0x3A0] =	vst @!p0 v1  }
0x171: {  	v1 =	vld @!p0 [tilespmem:$0x1C30];
	_ =	sdelay $0x4  }
0x172: {  	[tilespmem:s22+$0x3B0] =	vst @!p0 v1  }
0x173: {  	v1 =	vld @!p0 [tilespmem:$0x1C40];
	_ =	sdelay $0x4  }
0x174: {  	[tilespmem:s22+$0x3C0] =	vst @!p0 v1  }
0x175: {  	v1 =	vld @!p0 [tilespmem:$0x1C50];
	_ =	sdelay $0x4  }
0x176: {  	[tilespmem:s22+$0x3D0] =	vst @!p0 v1  }
0x177: {  	v1 =	vld @!p0 [tilespmem:$0x1C60];
	_ =	sdelay $0x4  }
0x178: {  	[tilespmem:s22+$0x3E0] =	vst @!p0 v1  }
0x179: {  	v1 =	vld @!p0 [tilespmem:$0x1C70]  }
.Ltmp8:
0x17a: {  	_ = 	snop;
	(pc) =	sbr.rel .LBB2_6-.Ltmp8, $2  }
0x17b: {  	_ =	sdelay $0x2  }
0x17c: {  	[tilespmem:s22+$0x3F0] =	vst @!p0 v1  }
.LBB2_9:
0x17d: {  	_ =	sfence.sel $0x180000  }
0x17e: {  	[bflag:$0x0] =	sbarrier.arrive $0xFFFF  }
0x17f: {  	p0 =	sne.s32 s0, $0x0;
	_ =	strace $0x90000047  }
0x180: {  	s0 =	sadd.s32 @!p0 $0x100000, s2;
	[bflag:$0x2] =	sbarrier.arrive $0xFFFF  }
0x181: {  	[sflag:s0] =	ssyncadd.tile.s32 @!p0 $0x1;
	_ =	shalt  }
.Lfunc_end2:
_tile_overlayer_lowered:
.L_overlay_start_2:
0x182: {  	(tag) =	ssettag $0x2  }
0x183: {  	s0 =	rddreg [dreg:$0x0];
	s2 =	stileid.u32  }
0x184: {  	s1 =	rddreg [dreg:$0x1];
	p0 =	sne.s32 s2, $0x0  }
0x185: {  	s3 =	rddreg [dreg:$0x2];
	[bflag:$0x3] =	sbarrier.arrive $0xFFFF;
	s2 =	simm.s32 @!p0 $0x1C09  }
0x186: {  	[timem:s3], [sflag:s2] =	dma.local @!p0 [hbm:s0], s1  }
0x187: {  	s0 =	simm.s32 @!p0 $0x9  }
0x188: {  	_ =	swait.ge @!p0 [sflag:s0], s1  }
0x189: {  	s1 =	ssub.s32 @!p0 $0x0, s1;
	[sflag:s0] =	ssyncset.done @!p0 $0x0  }
0x18a: {  	[sflag:s0] =	ssyncadd.s32 @!p0 s1  }
0x18b: {  	[bflag:$0x3] =	sbarrier.arrive $0xFFFF  }
0x18c: {  	_ =	shalt  }

</sc_bundles>
